<compile_context>
chip_gen: v7x
topology: tpu7x:2x2x1
jax: 0.10.2.dev20260603
libtpu: 0.0.44.dev20260713+nightly
codegen_flags: <defaults>
</compile_context>

<pallas_src>
import functools
import jax
import jax.numpy as jnp
from jax import lax
from jax.experimental import pallas as pl
from jax.experimental.pallas import tpu as pltpu
from jax.experimental.pallas import tpu_sc as plsc

_B, _N = 4, 4096
_R_SC = 512
_TILE = 1792
_L = 16
_QBLK = 8
_NW = 32



def _tc_body(q_ref, t_ref, out_ref):
    b = pl.program_id(0)
    i = pl.program_id(1)
    q = q_ref[0]
    qx = q[:, 0:1]
    qy = q[:, 1:2]
    qz = q[:, 2:3]
    t = t_ref[0]
    qn = (qx * qx + qy * qy) + qz * qz
    tn = jnp.sum(t * t, axis=1, keepdims=True)
    tn_hi = tn.astype(jnp.bfloat16).astype(jnp.float32)
    tn_lo = tn - tn_hi
    ones = jnp.ones_like(qx)
    a_aug = jnp.concatenate(
        [2.0 * qx, -2.0 * qy, -2.0 * qz, ones, ones], axis=1)
    t_aug = jnp.concatenate([t, tn_hi, tn_lo], axis=1)
    e = lax.dot_general(a_aug.astype(jnp.bfloat16),
                        t_aug.astype(jnp.bfloat16),
                        (((1,), (1,)), ((), ())),
                        preferred_element_type=jnp.float32)
    s = jnp.sum(qn) + jnp.sum(jnp.min(e, axis=1))

    @pl.when((b == 0) & (i == 0))
    def _init():
        out_ref[0, 0] = 0.0

    out_ref[0, 0] += s


def _tc_partial_sum(xyz):
    B, N, _ = xyz.shape
    q_rows = xyz[:, _R_SC:, :]
    return pl.pallas_call(
        _tc_body,
        grid=(B, (N - _R_SC) // _TILE),
        in_specs=[
            pl.BlockSpec((1, _TILE, 3), lambda b, i: (b, i, 0)),
            pl.BlockSpec((1, N, 3), lambda b, i: (b, 0, 0)),
        ],
        out_specs=pl.BlockSpec((1, 1), lambda b, i: (0, 0),
                               memory_space=pltpu.SMEM),
        out_shape=jax.ShapeDtypeStruct((1, 1), jnp.float32),
    )(q_rows, xyz)



def _sc_symloss(xr_hbm, yr_hbm, zr_hbm, xe_hbm, ye_hbm, ze_hbm,
                out_hbm, xv, yv, zv, nv, ov):
    wid = lax.axis_index("s") * 2 + lax.axis_index("c")
    rows_per_w = (_B * _R_SC) // _NW
    wpb = _NW // _B
    b = wid // wpb
    q0 = (wid % wpb) * rows_per_w

    pltpu.sync_copy(xe_hbm.at[b], xv)
    pltpu.sync_copy(ye_hbm.at[b], yv)
    pltpu.sync_copy(ze_hbm.at[b], zv)

    def norm_body(c, carry):
        xe = xv[pl.ds(c * _L, _L)]
        ye = yv[pl.ds(c * _L, _L)]
        ze = zv[pl.ds(c * _L, _L)]
        nv[pl.ds(c * _L, _L)] = (xe * xe + ye * ye) + ze * ze
        return carry

    lax.fori_loop(0, _N // _L, norm_body, jnp.float32(0.0))

    pltpu.sync_copy(xr_hbm.at[b], xv)
    pltpu.sync_copy(yr_hbm.at[b], yv)
    pltpu.sync_copy(zr_hbm.at[b], zv)

    inf = jnp.full((_L,), jnp.inf, dtype=jnp.float32)

    def group_body(g, total):
        base = q0 + g * _L
        qxv = xv[pl.ds(base, _L)]
        qyv = yv[pl.ds(base, _L)]
        qzv = zv[pl.ds(base, _L)]
        qnv = nv[pl.ds(base, _L)]
        for h in range(_L // _QBLK):
            qxs, qys, qzs, qns = [], [], [], []
            for j in range(_QBLK):
                lane = h * _QBLK + j
                qxs.append(jnp.full((_L,), 2.0 * qxv[lane]))
                qys.append(jnp.full((_L,), -2.0 * qyv[lane]))
                qzs.append(jnp.full((_L,), -2.0 * qzv[lane]))
                qns.append(jnp.full((_L,), qnv[lane]))

            def chunk_body(c, accs):
                xm = xv[pl.ds(c * _L, _L)]
                ym = yv[pl.ds(c * _L, _L)]
                zm = zv[pl.ds(c * _L, _L)]
                nm = nv[pl.ds(c * _L, _L)]
                out = []
                for j in range(_QBLK):
                    t = (qxs[j] * xm + qys[j] * ym) + qzs[j] * zm
                    d = (nm + qns[j]) + t
                    out.append(jnp.minimum(accs[j], d))
                return tuple(out)

            accs = lax.fori_loop(0, _N // _L, chunk_body,
                                 tuple([inf] * _QBLK))
            for j in range(_QBLK):
                m = accs[j]
                for stride in (8, 4, 2, 1):
                    idx = jnp.bitwise_xor(
                        lax.iota(jnp.int32, _L),
                        jnp.int32(stride))
                    perm = lax.gather(
                        m, idx[:, None],
                        lax.GatherDimensionNumbers(
                            offset_dims=(), collapsed_slice_dims=(0,),
                            start_index_map=(0,)),
                        slice_sizes=(1,),
                        mode=lax.GatherScatterMode.PROMISE_IN_BOUNDS)
                    m = jnp.minimum(m, perm)
                total = total + m[0]
        return total

    total = lax.fori_loop(0, rows_per_w // _L, group_body,
                          jnp.float32(0.0))
    ov[...] = jnp.full((_L,), total, dtype=jnp.float32)
    pltpu.sync_copy(ov, out_hbm.at[wid])


def _round_bf16(x):
    u = lax.bitcast_convert_type(x, jnp.uint32)
    u = (u + jnp.uint32(0x7FFF) + ((u >> 16) & jnp.uint32(1))) \
        & jnp.uint32(0xFFFF0000)
    return lax.bitcast_convert_type(u, jnp.float32)


def _sc_partial_sums(xyz):
    B, N, _ = xyz.shape
    xr = _round_bf16(xyz[:, :, 0])
    yr = _round_bf16(xyz[:, :, 1])
    zr = _round_bf16(xyz[:, :, 2])
    xe = xyz[:, :, 0]
    ye = xyz[:, :, 1]
    ze = xyz[:, :, 2]
    mesh = plsc.VectorSubcoreMesh(core_axis_name="c", subcore_axis_name="s")
    run = functools.partial(
        pl.kernel,
        mesh=mesh,
        out_type=jax.ShapeDtypeStruct((_NW, _L), jnp.float32),
        scratch_types=[
            pltpu.VMEM((N,), jnp.float32),
            pltpu.VMEM((N,), jnp.float32),
            pltpu.VMEM((N,), jnp.float32),
            pltpu.VMEM((N,), jnp.float32),
            pltpu.VMEM((_L,), jnp.float32),
        ],
    )(_sc_symloss)
    return run(xr, yr, zr, xe, ye, ze)


def kernel(xyz):
    B, N, _ = xyz.shape
    tc = _tc_partial_sum(xyz)
    sc = _sc_partial_sums(xyz)
    total = tc[0, 0] + jnp.sum(sc[:, 0])
    return total * (2.0 / (B * N))

# --- scband reference (transcript-rebuilt; emitter-appended) ---
"""Pipeline reference for scband-symmetry-loss-9758165696606 (READ-ONLY COPY).

The authoritative reference and input builder live on the scoring server;
editing this copy changes nothing except your own understanding.
"""

import jax, jax.numpy as jnp
import numpy as np


def _pairwise_sqdist(a, b):
    # a: (B, N, 3), b: (B, M, 3) -> (B, N, M)
    a2 = jnp.sum(a * a, axis=-1, keepdims=True)          # (B, N, 1)
    b2 = jnp.sum(b * b, axis=-1, keepdims=True)          # (B, M, 1)
    ab = jnp.einsum('bnd,bmd->bnm', a, b)                # (B, N, M)
    return a2 + jnp.swapaxes(b2, 1, 2) - 2.0 * ab


def setup_inputs(seed: int = 0) -> dict:
    key = jax.random.key(seed)
    xyz = jax.random.normal(key, (4, 4096, 3), dtype=jnp.float32)
    return {"xyz": xyz}


def reference(xyz):
    # SymmetryLoss with sym_plane=('yz',), NCHW=False:
    # mirror across the yz-plane => negate x coordinate (dim 0), multiplier view (1,1,3)
    beta, gamma, delta = 0.0, 1.0, 0.0
    mult = jnp.array([-1.0, 1.0, 1.0], dtype=xyz.dtype).reshape(1, 1, 3)
    m_xyz = xyz * mult
    m_xyz = jax.lax.stop_gradient(m_xyz)  # .detach() in the torch code

    P = m_xyz.shape[1]
    d2 = _pairwise_sqdist(m_xyz, xyz)                    # (B, N, N)
    dist12 = jnp.min(d2, axis=2)                         # nn dist: mirrored -> original
    idx12 = jnp.argmin(d2, axis=2)
    dist21 = jnp.min(d2, axis=1)                         # nn dist: original -> mirrored
    idx21 = jnp.argmin(d2, axis=1)

    loss = (jnp.mean(dist12, axis=-1)
            + jnp.max(dist12, axis=-1) * beta
            + (gamma + delta * P) * jnp.mean(dist21, axis=-1))
    loss = jnp.mean(loss)
    return loss

if __name__ == "__main__":
    import jax
    _d = setup_inputs()
    print(jax.jit(kernel)(*tuple(_d.values())))

</pallas_src>

<mosaic_0001>
#map = affine_map<(d0, d1) -> (0, 0)>
module attributes {stable_mosaic.version = 14 : i64} {
  func.func @_sc_symloss(%arg0: i32, %arg1: i32, %arg2: memref<4x4096xf32, #tpu.memory_space<hbm>>, %arg3: memref<4x4096xf32, #tpu.memory_space<hbm>>, %arg4: memref<4x4096xf32, #tpu.memory_space<hbm>>, %arg5: memref<4x4096xf32, #tpu.memory_space<hbm>>, %arg6: memref<4x4096xf32, #tpu.memory_space<hbm>>, %arg7: memref<4x4096xf32, #tpu.memory_space<hbm>>, %arg8: memref<32x16xf32, #tpu.memory_space<hbm>>, %arg9: memref<4096xf32, #tpu.memory_space<vmem>>, %arg10: memref<4096xf32, #tpu.memory_space<vmem>>, %arg11: memref<4096xf32, #tpu.memory_space<vmem>>, %arg12: memref<4096xf32, #tpu.memory_space<vmem>>, %arg13: memref<16xf32, #tpu.memory_space<vmem>>) attributes {dimension_semantics = [#tpu.dimension_semantics<core_parallel>, #tpu.dimension_semantics<subcore_parallel>], iteration_bounds = array<i64: 2, 16>, scalar_prefetch = 0 : i64, scratch_operands = 5 : i64, tpu.core_type = #tpu.core_type<sc_vector_subcore>, window_params = [{transform_indices = #map}, {transform_indices = #map}, {transform_indices = #map}, {transform_indices = #map}, {transform_indices = #map}, {transform_indices = #map}, {transform_indices = #map}]} {
    %mul3A = arith.constant 2 : i32
    %mul3A_0 = arith.muli %arg1, %mul3A : i32
    %add3A = arith.addi %mul3A_0, %arg0 : i32
    %jit3A = arith.constant 8 : i32
    %div3A = arith.divsi %add3A, %jit3A : i32
    %sign3A = arith.constant 0 : i32
    %sign3A_1 = arith.cmpi sgt, %add3A, %sign3A : i32
    %sign3A_2 = arith.extui %sign3A_1 : i1 to i32
    %sign3A_3 = arith.constant 0 : i32
    %sign3A_4 = arith.cmpi slt, %add3A, %sign3A_3 : i32
    %sign3A_5 = arith.extui %sign3A_4 : i1 to i32
    %sign3A_6 = arith.subi %sign3A_2, %sign3A_5 : i32
    %sign3A_7 = arith.constant 0 : i32
    %sign3A_8 = arith.cmpi sgt, %jit3A, %sign3A_7 : i32
    %sign3A_9 = arith.extui %sign3A_8 : i1 to i32
    %sign3A_10 = arith.constant 0 : i32
    %sign3A_11 = arith.cmpi slt, %jit3A, %sign3A_10 : i32
    %sign3A_12 = arith.extui %sign3A_11 : i1 to i32
    %sign3A_13 = arith.subi %sign3A_9, %sign3A_12 : i32
    %ne3A = arith.cmpi ne, %sign3A_6, %sign3A_13 : i32
    %rem3A = arith.remsi %add3A, %jit3A : i32
    %ne3A_14 = arith.constant 0 : i32
    %ne3A_15 = arith.cmpi ne, %rem3A, %ne3A_14 : i32
    %and3A = arith.andi %ne3A, %ne3A_15 : i1
    %sub3A = arith.constant 1 : i32
    %sub3A_16 = arith.subi %div3A, %sub3A : i32
    %select_n3A = arith.select %and3A, %sub3A_16, %div3A : i32
    %jit3A_17 = arith.constant 8 : i32
    %eq3A = arith.constant 0 : i32
    %eq3A_18 = arith.cmpi eq, %jit3A_17, %eq3A : i32
    %jit3A_19 = arith.constant 1 : i32
    %select_n3A_20 = arith.select %eq3A_18, %jit3A_19, %jit3A_17 : i32
    %rem3A_21 = arith.remsi %add3A, %select_n3A_20 : i32
    %ne3A_22 = arith.constant 0 : i32
    %ne3A_23 = arith.cmpi ne, %rem3A_21, %ne3A_22 : i32
    %lt3A = arith.constant 0 : i32
    %lt3A_24 = arith.cmpi slt, %rem3A_21, %lt3A : i32
    %lt3A_25 = arith.constant 0 : i32
    %lt3A_26 = arith.cmpi slt, %select_n3A_20, %lt3A_25 : i32
    %ne3A_27 = arith.xori %lt3A_24, %lt3A_26 : i1
    %and3A_28 = arith.andi %ne3A_27, %ne3A_23 : i1
    %add3A_29 = arith.addi %rem3A_21, %select_n3A_20 : i32
    %select_n3A_30 = arith.select %and3A_28, %add3A_29, %rem3A_21 : i32
    %mul3A_31 = arith.constant 64 : i32
    %mul3A_32 = arith.muli %select_n3A_30, %mul3A_31 : i32
    "tpu.region"() ({
      %run_scoped3A = tpu.sem_alloc : memref<!tpu.dma_semaphore, #tpu.memory_space<semaphore_mem>>
      %dma_start3A = arith.constant 0 : i32
      %dma_start3A_50 = tpu.memref_slice %arg5[%select_n3A, %dma_start3A] : memref<4x4096xf32, #tpu.memory_space<hbm>> -> memref<1x4096xf32, #tpu.memory_space<hbm>>
      %dma_start3A_51 = tpu.memref_squeeze %dma_start3A_50 : memref<1x4096xf32, #tpu.memory_space<hbm>> -> memref<4096xf32, #tpu.memory_space<hbm>>
      %dma_start3A_52 = arith.constant 0 : i32
      %dma_start3A_53 = tpu.memref_slice %arg5[%select_n3A, %dma_start3A_52] : memref<4x4096xf32, #tpu.memory_space<hbm>> -> memref<1x4096xf32, #tpu.memory_space<hbm>>
      %dma_start3A_54 = tpu.memref_squeeze %dma_start3A_53 : memref<1x4096xf32, #tpu.memory_space<hbm>> -> memref<4096xf32, #tpu.memory_space<hbm>>
      tpu.enqueue_dma source(%dma_start3A_54 : memref<4096xf32, #tpu.memory_space<hbm>>) target(%arg9 : memref<4096xf32, #tpu.memory_space<vmem>>) target_semaphore(%run_scoped3A : memref<!tpu.dma_semaphore, #tpu.memory_space<semaphore_mem>>)
      %dma_wait3A = arith.constant 0 : i32
      %dma_wait3A_55 = tpu.memref_slice %arg5[%select_n3A, %dma_wait3A] : memref<4x4096xf32, #tpu.memory_space<hbm>> -> memref<1x4096xf32, #tpu.memory_space<hbm>>
      %dma_wait3A_56 = tpu.memref_squeeze %dma_wait3A_55 : memref<1x4096xf32, #tpu.memory_space<hbm>> -> memref<4096xf32, #tpu.memory_space<hbm>>
      %dma_wait3A_57 = arith.constant 0 : i32
      %dma_wait3A_58 = tpu.memref_slice %arg5[%select_n3A, %dma_wait3A_57] : memref<4x4096xf32, #tpu.memory_space<hbm>> -> memref<1x4096xf32, #tpu.memory_space<hbm>>
      %dma_wait3A_59 = tpu.memref_squeeze %dma_wait3A_58 : memref<1x4096xf32, #tpu.memory_space<hbm>> -> memref<4096xf32, #tpu.memory_space<hbm>>
      tpu.wait_dma2 semaphore(%run_scoped3A : memref<!tpu.dma_semaphore, #tpu.memory_space<semaphore_mem>>) src(%dma_wait3A_59 : memref<4096xf32, #tpu.memory_space<hbm>>) dst(%arg9 : memref<4096xf32, #tpu.memory_space<vmem>>)
      tpu.yield
    }) : () -> ()
    "tpu.region"() ({
      %run_scoped3A = tpu.sem_alloc : memref<!tpu.dma_semaphore, #tpu.memory_space<semaphore_mem>>
      %dma_start3A = arith.constant 0 : i32
      %dma_start3A_50 = tpu.memref_slice %arg6[%select_n3A, %dma_start3A] : memref<4x4096xf32, #tpu.memory_space<hbm>> -> memref<1x4096xf32, #tpu.memory_space<hbm>>
      %dma_start3A_51 = tpu.memref_squeeze %dma_start3A_50 : memref<1x4096xf32, #tpu.memory_space<hbm>> -> memref<4096xf32, #tpu.memory_space<hbm>>
      %dma_start3A_52 = arith.constant 0 : i32
      %dma_start3A_53 = tpu.memref_slice %arg6[%select_n3A, %dma_start3A_52] : memref<4x4096xf32, #tpu.memory_space<hbm>> -> memref<1x4096xf32, #tpu.memory_space<hbm>>
      %dma_start3A_54 = tpu.memref_squeeze %dma_start3A_53 : memref<1x4096xf32, #tpu.memory_space<hbm>> -> memref<4096xf32, #tpu.memory_space<hbm>>
      tpu.enqueue_dma source(%dma_start3A_54 : memref<4096xf32, #tpu.memory_space<hbm>>) target(%arg10 : memref<4096xf32, #tpu.memory_space<vmem>>) target_semaphore(%run_scoped3A : memref<!tpu.dma_semaphore, #tpu.memory_space<semaphore_mem>>)
      %dma_wait3A = arith.constant 0 : i32
      %dma_wait3A_55 = tpu.memref_slice %arg6[%select_n3A, %dma_wait3A] : memref<4x4096xf32, #tpu.memory_space<hbm>> -> memref<1x4096xf32, #tpu.memory_space<hbm>>
      %dma_wait3A_56 = tpu.memref_squeeze %dma_wait3A_55 : memref<1x4096xf32, #tpu.memory_space<hbm>> -> memref<4096xf32, #tpu.memory_space<hbm>>
      %dma_wait3A_57 = arith.constant 0 : i32
      %dma_wait3A_58 = tpu.memref_slice %arg6[%select_n3A, %dma_wait3A_57] : memref<4x4096xf32, #tpu.memory_space<hbm>> -> memref<1x4096xf32, #tpu.memory_space<hbm>>
      %dma_wait3A_59 = tpu.memref_squeeze %dma_wait3A_58 : memref<1x4096xf32, #tpu.memory_space<hbm>> -> memref<4096xf32, #tpu.memory_space<hbm>>
      tpu.wait_dma2 semaphore(%run_scoped3A : memref<!tpu.dma_semaphore, #tpu.memory_space<semaphore_mem>>) src(%dma_wait3A_59 : memref<4096xf32, #tpu.memory_space<hbm>>) dst(%arg10 : memref<4096xf32, #tpu.memory_space<vmem>>)
      tpu.yield
    }) : () -> ()
    "tpu.region"() ({
      %run_scoped3A = tpu.sem_alloc : memref<!tpu.dma_semaphore, #tpu.memory_space<semaphore_mem>>
      %dma_start3A = arith.constant 0 : i32
      %dma_start3A_50 = tpu.memref_slice %arg7[%select_n3A, %dma_start3A] : memref<4x4096xf32, #tpu.memory_space<hbm>> -> memref<1x4096xf32, #tpu.memory_space<hbm>>
      %dma_start3A_51 = tpu.memref_squeeze %dma_start3A_50 : memref<1x4096xf32, #tpu.memory_space<hbm>> -> memref<4096xf32, #tpu.memory_space<hbm>>
      %dma_start3A_52 = arith.constant 0 : i32
      %dma_start3A_53 = tpu.memref_slice %arg7[%select_n3A, %dma_start3A_52] : memref<4x4096xf32, #tpu.memory_space<hbm>> -> memref<1x4096xf32, #tpu.memory_space<hbm>>
      %dma_start3A_54 = tpu.memref_squeeze %dma_start3A_53 : memref<1x4096xf32, #tpu.memory_space<hbm>> -> memref<4096xf32, #tpu.memory_space<hbm>>
      tpu.enqueue_dma source(%dma_start3A_54 : memref<4096xf32, #tpu.memory_space<hbm>>) target(%arg11 : memref<4096xf32, #tpu.memory_space<vmem>>) target_semaphore(%run_scoped3A : memref<!tpu.dma_semaphore, #tpu.memory_space<semaphore_mem>>)
      %dma_wait3A = arith.constant 0 : i32
      %dma_wait3A_55 = tpu.memref_slice %arg7[%select_n3A, %dma_wait3A] : memref<4x4096xf32, #tpu.memory_space<hbm>> -> memref<1x4096xf32, #tpu.memory_space<hbm>>
      %dma_wait3A_56 = tpu.memref_squeeze %dma_wait3A_55 : memref<1x4096xf32, #tpu.memory_space<hbm>> -> memref<4096xf32, #tpu.memory_space<hbm>>
      %dma_wait3A_57 = arith.constant 0 : i32
      %dma_wait3A_58 = tpu.memref_slice %arg7[%select_n3A, %dma_wait3A_57] : memref<4x4096xf32, #tpu.memory_space<hbm>> -> memref<1x4096xf32, #tpu.memory_space<hbm>>
      %dma_wait3A_59 = tpu.memref_squeeze %dma_wait3A_58 : memref<1x4096xf32, #tpu.memory_space<hbm>> -> memref<4096xf32, #tpu.memory_space<hbm>>
      tpu.wait_dma2 semaphore(%run_scoped3A : memref<!tpu.dma_semaphore, #tpu.memory_space<semaphore_mem>>) src(%dma_wait3A_59 : memref<4096xf32, #tpu.memory_space<hbm>>) dst(%arg11 : memref<4096xf32, #tpu.memory_space<vmem>>)
      tpu.yield
    }) : () -> ()
    %scan3A = arith.constant 0.000000e+00 : f32
    %scan3A_33 = arith.constant 0 : i32
    %scan3A_34 = arith.constant 256 : i32
    %scan3A_35 = arith.addi %scan3A_33, %scan3A_34 : i32
    %scan3A_36 = arith.constant 1 : i32
    scf.for %scan3A_50 = %scan3A_33 to %scan3A_35 step %scan3A_36  : i32 {
      %mul3A_51 = arith.constant 16 : i32
      %mul3A_52 = arith.muli %scan3A_50, %mul3A_51 : i32
      %get3A = arith.index_cast %mul3A_52 : i32 to index
      %get3A_53 = tpu.vector_load %arg9[%get3A] {strides = array<i32>} : memref<4096xf32, #tpu.memory_space<vmem>>, vector<16xf32>,
      %get3A_54 = vector.shape_cast %get3A_53 : vector<16xf32> to vector<16xf32>
      %mul3A_55 = arith.constant 16 : i32
      %mul3A_56 = arith.muli %scan3A_50, %mul3A_55 : i32
      %get3A_57 = arith.index_cast %mul3A_56 : i32 to index
      %get3A_58 = tpu.vector_load %arg10[%get3A_57] {strides = array<i32>} : memref<4096xf32, #tpu.memory_space<vmem>>, vector<16xf32>,
      %get3A_59 = vector.shape_cast %get3A_58 : vector<16xf32> to vector<16xf32>
      %mul3A_60 = arith.constant 16 : i32
      %mul3A_61 = arith.muli %scan3A_50, %mul3A_60 : i32
      %get3A_62 = arith.index_cast %mul3A_61 : i32 to index
      %get3A_63 = tpu.vector_load %arg11[%get3A_62] {strides = array<i32>} : memref<4096xf32, #tpu.memory_space<vmem>>, vector<16xf32>,
      %get3A_64 = vector.shape_cast %get3A_63 : vector<16xf32> to vector<16xf32>
      %mul3A_65 = arith.mulf %get3A_54, %get3A_54 : vector<16xf32>
      %mul3A_66 = arith.mulf %get3A_59, %get3A_59 : vector<16xf32>
      %add3A_67 = arith.addf %mul3A_65, %mul3A_66 : vector<16xf32>
      %mul3A_68 = arith.mulf %get3A_64, %get3A_64 : vector<16xf32>
      %add3A_69 = arith.addf %add3A_67, %mul3A_68 : vector<16xf32>
      %mul3A_70 = arith.constant 16 : i32
      %mul3A_71 = arith.muli %scan3A_50, %mul3A_70 : i32
      %swap3A_72 = arith.index_cast %mul3A_71 : i32 to index
      %swap3A_73 = tpu.vector_load %arg12[%swap3A_72] {strides = array<i32>} : memref<4096xf32, #tpu.memory_space<vmem>>, vector<16xf32>,
      %swap3A_74 = vector.shape_cast %swap3A_73 : vector<16xf32> to vector<16xf32>
      %swap3A_75 = vector.shape_cast %add3A_69 : vector<16xf32> to vector<16xf32>
      tpu.vector_store %arg12[%swap3A_72], %swap3A_75 {strides = array<i32>} : memref<4096xf32, #tpu.memory_space<vmem>>, vector<16xf32>,
    }
    %scan3A_37 = arith.constant 256 : i32
    "tpu.region"() ({
      %run_scoped3A = tpu.sem_alloc : memref<!tpu.dma_semaphore, #tpu.memory_space<semaphore_mem>>
      %dma_start3A = arith.constant 0 : i32
      %dma_start3A_50 = tpu.memref_slice %arg2[%select_n3A, %dma_start3A] : memref<4x4096xf32, #tpu.memory_space<hbm>> -> memref<1x4096xf32, #tpu.memory_space<hbm>>
      %dma_start3A_51 = tpu.memref_squeeze %dma_start3A_50 : memref<1x4096xf32, #tpu.memory_space<hbm>> -> memref<4096xf32, #tpu.memory_space<hbm>>
      %dma_start3A_52 = arith.constant 0 : i32
      %dma_start3A_53 = tpu.memref_slice %arg2[%select_n3A, %dma_start3A_52] : memref<4x4096xf32, #tpu.memory_space<hbm>> -> memref<1x4096xf32, #tpu.memory_space<hbm>>
      %dma_start3A_54 = tpu.memref_squeeze %dma_start3A_53 : memref<1x4096xf32, #tpu.memory_space<hbm>> -> memref<4096xf32, #tpu.memory_space<hbm>>
      tpu.enqueue_dma source(%dma_start3A_54 : memref<4096xf32, #tpu.memory_space<hbm>>) target(%arg9 : memref<4096xf32, #tpu.memory_space<vmem>>) target_semaphore(%run_scoped3A : memref<!tpu.dma_semaphore, #tpu.memory_space<semaphore_mem>>)
      %dma_wait3A = arith.constant 0 : i32
      %dma_wait3A_55 = tpu.memref_slice %arg2[%select_n3A, %dma_wait3A] : memref<4x4096xf32, #tpu.memory_space<hbm>> -> memref<1x4096xf32, #tpu.memory_space<hbm>>
      %dma_wait3A_56 = tpu.memref_squeeze %dma_wait3A_55 : memref<1x4096xf32, #tpu.memory_space<hbm>> -> memref<4096xf32, #tpu.memory_space<hbm>>
      %dma_wait3A_57 = arith.constant 0 : i32
      %dma_wait3A_58 = tpu.memref_slice %arg2[%select_n3A, %dma_wait3A_57] : memref<4x4096xf32, #tpu.memory_space<hbm>> -> memref<1x4096xf32, #tpu.memory_space<hbm>>
      %dma_wait3A_59 = tpu.memref_squeeze %dma_wait3A_58 : memref<1x4096xf32, #tpu.memory_space<hbm>> -> memref<4096xf32, #tpu.memory_space<hbm>>
      tpu.wait_dma2 semaphore(%run_scoped3A : memref<!tpu.dma_semaphore, #tpu.memory_space<semaphore_mem>>) src(%dma_wait3A_59 : memref<4096xf32, #tpu.memory_space<hbm>>) dst(%arg9 : memref<4096xf32, #tpu.memory_space<vmem>>)
      tpu.yield
    }) : () -> ()
    "tpu.region"() ({
      %run_scoped3A = tpu.sem_alloc : memref<!tpu.dma_semaphore, #tpu.memory_space<semaphore_mem>>
      %dma_start3A = arith.constant 0 : i32
      %dma_start3A_50 = tpu.memref_slice %arg3[%select_n3A, %dma_start3A] : memref<4x4096xf32, #tpu.memory_space<hbm>> -> memref<1x4096xf32, #tpu.memory_space<hbm>>
      %dma_start3A_51 = tpu.memref_squeeze %dma_start3A_50 : memref<1x4096xf32, #tpu.memory_space<hbm>> -> memref<4096xf32, #tpu.memory_space<hbm>>
      %dma_start3A_52 = arith.constant 0 : i32
      %dma_start3A_53 = tpu.memref_slice %arg3[%select_n3A, %dma_start3A_52] : memref<4x4096xf32, #tpu.memory_space<hbm>> -> memref<1x4096xf32, #tpu.memory_space<hbm>>
      %dma_start3A_54 = tpu.memref_squeeze %dma_start3A_53 : memref<1x4096xf32, #tpu.memory_space<hbm>> -> memref<4096xf32, #tpu.memory_space<hbm>>
      tpu.enqueue_dma source(%dma_start3A_54 : memref<4096xf32, #tpu.memory_space<hbm>>) target(%arg10 : memref<4096xf32, #tpu.memory_space<vmem>>) target_semaphore(%run_scoped3A : memref<!tpu.dma_semaphore, #tpu.memory_space<semaphore_mem>>)
      %dma_wait3A = arith.constant 0 : i32
      %dma_wait3A_55 = tpu.memref_slice %arg3[%select_n3A, %dma_wait3A] : memref<4x4096xf32, #tpu.memory_space<hbm>> -> memref<1x4096xf32, #tpu.memory_space<hbm>>
      %dma_wait3A_56 = tpu.memref_squeeze %dma_wait3A_55 : memref<1x4096xf32, #tpu.memory_space<hbm>> -> memref<4096xf32, #tpu.memory_space<hbm>>
      %dma_wait3A_57 = arith.constant 0 : i32
      %dma_wait3A_58 = tpu.memref_slice %arg3[%select_n3A, %dma_wait3A_57] : memref<4x4096xf32, #tpu.memory_space<hbm>> -> memref<1x4096xf32, #tpu.memory_space<hbm>>
      %dma_wait3A_59 = tpu.memref_squeeze %dma_wait3A_58 : memref<1x4096xf32, #tpu.memory_space<hbm>> -> memref<4096xf32, #tpu.memory_space<hbm>>
      tpu.wait_dma2 semaphore(%run_scoped3A : memref<!tpu.dma_semaphore, #tpu.memory_space<semaphore_mem>>) src(%dma_wait3A_59 : memref<4096xf32, #tpu.memory_space<hbm>>) dst(%arg10 : memref<4096xf32, #tpu.memory_space<vmem>>)
      tpu.yield
    }) : () -> ()
    "tpu.region"() ({
      %run_scoped3A = tpu.sem_alloc : memref<!tpu.dma_semaphore, #tpu.memory_space<semaphore_mem>>
      %dma_start3A = arith.constant 0 : i32
      %dma_start3A_50 = tpu.memref_slice %arg4[%select_n3A, %dma_start3A] : memref<4x4096xf32, #tpu.memory_space<hbm>> -> memref<1x4096xf32, #tpu.memory_space<hbm>>
      %dma_start3A_51 = tpu.memref_squeeze %dma_start3A_50 : memref<1x4096xf32, #tpu.memory_space<hbm>> -> memref<4096xf32, #tpu.memory_space<hbm>>
      %dma_start3A_52 = arith.constant 0 : i32
      %dma_start3A_53 = tpu.memref_slice %arg4[%select_n3A, %dma_start3A_52] : memref<4x4096xf32, #tpu.memory_space<hbm>> -> memref<1x4096xf32, #tpu.memory_space<hbm>>
      %dma_start3A_54 = tpu.memref_squeeze %dma_start3A_53 : memref<1x4096xf32, #tpu.memory_space<hbm>> -> memref<4096xf32, #tpu.memory_space<hbm>>
      tpu.enqueue_dma source(%dma_start3A_54 : memref<4096xf32, #tpu.memory_space<hbm>>) target(%arg11 : memref<4096xf32, #tpu.memory_space<vmem>>) target_semaphore(%run_scoped3A : memref<!tpu.dma_semaphore, #tpu.memory_space<semaphore_mem>>)
      %dma_wait3A = arith.constant 0 : i32
      %dma_wait3A_55 = tpu.memref_slice %arg4[%select_n3A, %dma_wait3A] : memref<4x4096xf32, #tpu.memory_space<hbm>> -> memref<1x4096xf32, #tpu.memory_space<hbm>>
      %dma_wait3A_56 = tpu.memref_squeeze %dma_wait3A_55 : memref<1x4096xf32, #tpu.memory_space<hbm>> -> memref<4096xf32, #tpu.memory_space<hbm>>
      %dma_wait3A_57 = arith.constant 0 : i32
      %dma_wait3A_58 = tpu.memref_slice %arg4[%select_n3A, %dma_wait3A_57] : memref<4x4096xf32, #tpu.memory_space<hbm>> -> memref<1x4096xf32, #tpu.memory_space<hbm>>
      %dma_wait3A_59 = tpu.memref_squeeze %dma_wait3A_58 : memref<1x4096xf32, #tpu.memory_space<hbm>> -> memref<4096xf32, #tpu.memory_space<hbm>>
      tpu.wait_dma2 semaphore(%run_scoped3A : memref<!tpu.dma_semaphore, #tpu.memory_space<semaphore_mem>>) src(%dma_wait3A_59 : memref<4096xf32, #tpu.memory_space<hbm>>) dst(%arg11 : memref<4096xf32, #tpu.memory_space<vmem>>)
      tpu.yield
    }) : () -> ()
    %broadcast_in_dim3A = arith.constant 0x7F800000 : f32
    %broadcast_in_dim3A_38 = vector.broadcast %broadcast_in_dim3A : f32 to vector<16xf32>
    %scan3A_39 = arith.constant 0.000000e+00 : f32
    %scan3A_40 = arith.constant 0 : i32
    %scan3A_41 = arith.constant 4 : i32
    %scan3A_42 = arith.addi %scan3A_40, %scan3A_41 : i32
    %scan3A_43 = arith.constant 1 : i32
    %scan3A_44 = scf.for %scan3A_50 = %scan3A_40 to %scan3A_42 step %scan3A_43 iter_args(%scan3A_51 = %scan3A_39) -> (f32)  : i32 {
      %mul3A_52 = arith.constant 16 : i32
      %mul3A_53 = arith.muli %scan3A_50, %mul3A_52 : i32
      %add3A_54 = arith.addi %mul3A_32, %mul3A_53 : i32
      %get3A = arith.index_cast %add3A_54 : i32 to index
      %get3A_55 = tpu.vector_load %arg9[%get3A] {strides = array<i32>} : memref<4096xf32, #tpu.memory_space<vmem>>, vector<16xf32>,
      %get3A_56 = vector.shape_cast %get3A_55 : vector<16xf32> to vector<16xf32>
      %get3A_57 = arith.index_cast %add3A_54 : i32 to index
      %get3A_58 = tpu.vector_load %arg10[%get3A_57] {strides = array<i32>} : memref<4096xf32, #tpu.memory_space<vmem>>, vector<16xf32>,
      %get3A_59 = vector.shape_cast %get3A_58 : vector<16xf32> to vector<16xf32>
      %get3A_60 = arith.index_cast %add3A_54 : i32 to index
      %get3A_61 = tpu.vector_load %arg11[%get3A_60] {strides = array<i32>} : memref<4096xf32, #tpu.memory_space<vmem>>, vector<16xf32>,
      %get3A_62 = vector.shape_cast %get3A_61 : vector<16xf32> to vector<16xf32>
      %get3A_63 = arith.index_cast %add3A_54 : i32 to index
      %get3A_64 = tpu.vector_load %arg12[%get3A_63] {strides = array<i32>} : memref<4096xf32, #tpu.memory_space<vmem>>, vector<16xf32>,
      %get3A_65 = vector.shape_cast %get3A_64 : vector<16xf32> to vector<16xf32>
      %slice3A = vector.extract_strided_slice %get3A_56 {offsets = [0], sizes = [1], strides = [1]} : vector<16xf32> to vector<1xf32>
      %squeeze3A = vector.extract %slice3A[0] : f32 from vector<1xf32>
      %mul3A_66 = arith.constant 2.000000e+00 : f32
      %mul3A_67 = arith.mulf %mul3A_66, %squeeze3A : f32
      %broadcast_in_dim3A_68 = vector.broadcast %mul3A_67 : f32 to vector<16xf32>
      %slice3A_69 = vector.extract_strided_slice %get3A_59 {offsets = [0], sizes = [1], strides = [1]} : vector<16xf32> to vector<1xf32>
      %squeeze3A_70 = vector.extract %slice3A_69[0] : f32 from vector<1xf32>
      %mul3A_71 = arith.constant -2.000000e+00 : f32
      %mul3A_72 = arith.mulf %mul3A_71, %squeeze3A_70 : f32
      %broadcast_in_dim3A_73 = vector.broadcast %mul3A_72 : f32 to vector<16xf32>
      %slice3A_74 = vector.extract_strided_slice %get3A_62 {offsets = [0], sizes = [1], strides = [1]} : vector<16xf32> to vector<1xf32>
      %squeeze3A_75 = vector.extract %slice3A_74[0] : f32 from vector<1xf32>
      %mul3A_76 = arith.constant -2.000000e+00 : f32
      %mul3A_77 = arith.mulf %mul3A_76, %squeeze3A_75 : f32
      %broadcast_in_dim3A_78 = vector.broadcast %mul3A_77 : f32 to vector<16xf32>
      %slice3A_79 = vector.extract_strided_slice %get3A_65 {offsets = [0], sizes = [1], strides = [1]} : vector<16xf32> to vector<1xf32>
      %squeeze3A_80 = vector.extract %slice3A_79[0] : f32 from vector<1xf32>
      %broadcast_in_dim3A_81 = vector.broadcast %squeeze3A_80 : f32 to vector<16xf32>
      %slice3A_82 = vector.extract_strided_slice %get3A_56 {offsets = [1], sizes = [1], strides = [1]} : vector<16xf32> to vector<1xf32>
      %squeeze3A_83 = vector.extract %slice3A_82[0] : f32 from vector<1xf32>
      %mul3A_84 = arith.constant 2.000000e+00 : f32
      %mul3A_85 = arith.mulf %mul3A_84, %squeeze3A_83 : f32
      %broadcast_in_dim3A_86 = vector.broadcast %mul3A_85 : f32 to vector<16xf32>
      %slice3A_87 = vector.extract_strided_slice %get3A_59 {offsets = [1], sizes = [1], strides = [1]} : vector<16xf32> to vector<1xf32>
      %squeeze3A_88 = vector.extract %slice3A_87[0] : f32 from vector<1xf32>
      %mul3A_89 = arith.constant -2.000000e+00 : f32
      %mul3A_90 = arith.mulf %mul3A_89, %squeeze3A_88 : f32
      %broadcast_in_dim3A_91 = vector.broadcast %mul3A_90 : f32 to vector<16xf32>
      %slice3A_92 = vector.extract_strided_slice %get3A_62 {offsets = [1], sizes = [1], strides = [1]} : vector<16xf32> to vector<1xf32>
      %squeeze3A_93 = vector.extract %slice3A_92[0] : f32 from vector<1xf32>
      %mul3A_94 = arith.constant -2.000000e+00 : f32
      %mul3A_95 = arith.mulf %mul3A_94, %squeeze3A_93 : f32
      %broadcast_in_dim3A_96 = vector.broadcast %mul3A_95 : f32 to vector<16xf32>
      %slice3A_97 = vector.extract_strided_slice %get3A_65 {offsets = [1], sizes = [1], strides = [1]} : vector<16xf32> to vector<1xf32>
      %squeeze3A_98 = vector.extract %slice3A_97[0] : f32 from vector<1xf32>
      %broadcast_in_dim3A_99 = vector.broadcast %squeeze3A_98 : f32 to vector<16xf32>
      %slice3A_100 = vector.extract_strided_slice %get3A_56 {offsets = [2], sizes = [1], strides = [1]} : vector<16xf32> to vector<1xf32>
      %squeeze3A_101 = vector.extract %slice3A_100[0] : f32 from vector<1xf32>
      %mul3A_102 = arith.constant 2.000000e+00 : f32
      %mul3A_103 = arith.mulf %mul3A_102, %squeeze3A_101 : f32
      %broadcast_in_dim3A_104 = vector.broadcast %mul3A_103 : f32 to vector<16xf32>
      %slice3A_105 = vector.extract_strided_slice %get3A_59 {offsets = [2], sizes = [1], strides = [1]} : vector<16xf32> to vector<1xf32>
      %squeeze3A_106 = vector.extract %slice3A_105[0] : f32 from vector<1xf32>
      %mul3A_107 = arith.constant -2.000000e+00 : f32
      %mul3A_108 = arith.mulf %mul3A_107, %squeeze3A_106 : f32
      %broadcast_in_dim3A_109 = vector.broadcast %mul3A_108 : f32 to vector<16xf32>
      %slice3A_110 = vector.extract_strided_slice %get3A_62 {offsets = [2], sizes = [1], strides = [1]} : vector<16xf32> to vector<1xf32>
      %squeeze3A_111 = vector.extract %slice3A_110[0] : f32 from vector<1xf32>
      %mul3A_112 = arith.constant -2.000000e+00 : f32
      %mul3A_113 = arith.mulf %mul3A_112, %squeeze3A_111 : f32
      %broadcast_in_dim3A_114 = vector.broadcast %mul3A_113 : f32 to vector<16xf32>
      %slice3A_115 = vector.extract_strided_slice %get3A_65 {offsets = [2], sizes = [1], strides = [1]} : vector<16xf32> to vector<1xf32>
      %squeeze3A_116 = vector.extract %slice3A_115[0] : f32 from vector<1xf32>
      %broadcast_in_dim3A_117 = vector.broadcast %squeeze3A_116 : f32 to vector<16xf32>
      %slice3A_118 = vector.extract_strided_slice %get3A_56 {offsets = [3], sizes = [1], strides = [1]} : vector<16xf32> to vector<1xf32>
      %squeeze3A_119 = vector.extract %slice3A_118[0] : f32 from vector<1xf32>
      %mul3A_120 = arith.constant 2.000000e+00 : f32
      %mul3A_121 = arith.mulf %mul3A_120, %squeeze3A_119 : f32
      %broadcast_in_dim3A_122 = vector.broadcast %mul3A_121 : f32 to vector<16xf32>
      %slice3A_123 = vector.extract_strided_slice %get3A_59 {offsets = [3], sizes = [1], strides = [1]} : vector<16xf32> to vector<1xf32>
      %squeeze3A_124 = vector.extract %slice3A_123[0] : f32 from vector<1xf32>
      %mul3A_125 = arith.constant -2.000000e+00 : f32
      %mul3A_126 = arith.mulf %mul3A_125, %squeeze3A_124 : f32
      %broadcast_in_dim3A_127 = vector.broadcast %mul3A_126 : f32 to vector<16xf32>
      %slice3A_128 = vector.extract_strided_slice %get3A_62 {offsets = [3], sizes = [1], strides = [1]} : vector<16xf32> to vector<1xf32>
      %squeeze3A_129 = vector.extract %slice3A_128[0] : f32 from vector<1xf32>
      %mul3A_130 = arith.constant -2.000000e+00 : f32
      %mul3A_131 = arith.mulf %mul3A_130, %squeeze3A_129 : f32
      %broadcast_in_dim3A_132 = vector.broadcast %mul3A_131 : f32 to vector<16xf32>
      %slice3A_133 = vector.extract_strided_slice %get3A_65 {offsets = [3], sizes = [1], strides = [1]} : vector<16xf32> to vector<1xf32>
      %squeeze3A_134 = vector.extract %slice3A_133[0] : f32 from vector<1xf32>
      %broadcast_in_dim3A_135 = vector.broadcast %squeeze3A_134 : f32 to vector<16xf32>
      %slice3A_136 = vector.extract_strided_slice %get3A_56 {offsets = [4], sizes = [1], strides = [1]} : vector<16xf32> to vector<1xf32>
      %squeeze3A_137 = vector.extract %slice3A_136[0] : f32 from vector<1xf32>
      %mul3A_138 = arith.constant 2.000000e+00 : f32
      %mul3A_139 = arith.mulf %mul3A_138, %squeeze3A_137 : f32
      %broadcast_in_dim3A_140 = vector.broadcast %mul3A_139 : f32 to vector<16xf32>
      %slice3A_141 = vector.extract_strided_slice %get3A_59 {offsets = [4], sizes = [1], strides = [1]} : vector<16xf32> to vector<1xf32>
      %squeeze3A_142 = vector.extract %slice3A_141[0] : f32 from vector<1xf32>
      %mul3A_143 = arith.constant -2.000000e+00 : f32
      %mul3A_144 = arith.mulf %mul3A_143, %squeeze3A_142 : f32
      %broadcast_in_dim3A_145 = vector.broadcast %mul3A_144 : f32 to vector<16xf32>
      %slice3A_146 = vector.extract_strided_slice %get3A_62 {offsets = [4], sizes = [1], strides = [1]} : vector<16xf32> to vector<1xf32>
      %squeeze3A_147 = vector.extract %slice3A_146[0] : f32 from vector<1xf32>
      %mul3A_148 = arith.constant -2.000000e+00 : f32
      %mul3A_149 = arith.mulf %mul3A_148, %squeeze3A_147 : f32
      %broadcast_in_dim3A_150 = vector.broadcast %mul3A_149 : f32 to vector<16xf32>
      %slice3A_151 = vector.extract_strided_slice %get3A_65 {offsets = [4], sizes = [1], strides = [1]} : vector<16xf32> to vector<1xf32>
      %squeeze3A_152 = vector.extract %slice3A_151[0] : f32 from vector<1xf32>
      %broadcast_in_dim3A_153 = vector.broadcast %squeeze3A_152 : f32 to vector<16xf32>
      %slice3A_154 = vector.extract_strided_slice %get3A_56 {offsets = [5], sizes = [1], strides = [1]} : vector<16xf32> to vector<1xf32>
      %squeeze3A_155 = vector.extract %slice3A_154[0] : f32 from vector<1xf32>
      %mul3A_156 = arith.constant 2.000000e+00 : f32
      %mul3A_157 = arith.mulf %mul3A_156, %squeeze3A_155 : f32
      %broadcast_in_dim3A_158 = vector.broadcast %mul3A_157 : f32 to vector<16xf32>
      %slice3A_159 = vector.extract_strided_slice %get3A_59 {offsets = [5], sizes = [1], strides = [1]} : vector<16xf32> to vector<1xf32>
      %squeeze3A_160 = vector.extract %slice3A_159[0] : f32 from vector<1xf32>
      %mul3A_161 = arith.constant -2.000000e+00 : f32
      %mul3A_162 = arith.mulf %mul3A_161, %squeeze3A_160 : f32
      %broadcast_in_dim3A_163 = vector.broadcast %mul3A_162 : f32 to vector<16xf32>
      %slice3A_164 = vector.extract_strided_slice %get3A_62 {offsets = [5], sizes = [1], strides = [1]} : vector<16xf32> to vector<1xf32>
      %squeeze3A_165 = vector.extract %slice3A_164[0] : f32 from vector<1xf32>
      %mul3A_166 = arith.constant -2.000000e+00 : f32
      %mul3A_167 = arith.mulf %mul3A_166, %squeeze3A_165 : f32
      %broadcast_in_dim3A_168 = vector.broadcast %mul3A_167 : f32 to vector<16xf32>
      %slice3A_169 = vector.extract_strided_slice %get3A_65 {offsets = [5], sizes = [1], strides = [1]} : vector<16xf32> to vector<1xf32>
      %squeeze3A_170 = vector.extract %slice3A_169[0] : f32 from vector<1xf32>
      %broadcast_in_dim3A_171 = vector.broadcast %squeeze3A_170 : f32 to vector<16xf32>
      %slice3A_172 = vector.extract_strided_slice %get3A_56 {offsets = [6], sizes = [1], strides = [1]} : vector<16xf32> to vector<1xf32>
      %squeeze3A_173 = vector.extract %slice3A_172[0] : f32 from vector<1xf32>
      %mul3A_174 = arith.constant 2.000000e+00 : f32
      %mul3A_175 = arith.mulf %mul3A_174, %squeeze3A_173 : f32
      %broadcast_in_dim3A_176 = vector.broadcast %mul3A_175 : f32 to vector<16xf32>
      %slice3A_177 = vector.extract_strided_slice %get3A_59 {offsets = [6], sizes = [1], strides = [1]} : vector<16xf32> to vector<1xf32>
      %squeeze3A_178 = vector.extract %slice3A_177[0] : f32 from vector<1xf32>
      %mul3A_179 = arith.constant -2.000000e+00 : f32
      %mul3A_180 = arith.mulf %mul3A_179, %squeeze3A_178 : f32
      %broadcast_in_dim3A_181 = vector.broadcast %mul3A_180 : f32 to vector<16xf32>
      %slice3A_182 = vector.extract_strided_slice %get3A_62 {offsets = [6], sizes = [1], strides = [1]} : vector<16xf32> to vector<1xf32>
      %squeeze3A_183 = vector.extract %slice3A_182[0] : f32 from vector<1xf32>
      %mul3A_184 = arith.constant -2.000000e+00 : f32
      %mul3A_185 = arith.mulf %mul3A_184, %squeeze3A_183 : f32
      %broadcast_in_dim3A_186 = vector.broadcast %mul3A_185 : f32 to vector<16xf32>
      %slice3A_187 = vector.extract_strided_slice %get3A_65 {offsets = [6], sizes = [1], strides = [1]} : vector<16xf32> to vector<1xf32>
      %squeeze3A_188 = vector.extract %slice3A_187[0] : f32 from vector<1xf32>
      %broadcast_in_dim3A_189 = vector.broadcast %squeeze3A_188 : f32 to vector<16xf32>
      %slice3A_190 = vector.extract_strided_slice %get3A_56 {offsets = [7], sizes = [1], strides = [1]} : vector<16xf32> to vector<1xf32>
      %squeeze3A_191 = vector.extract %slice3A_190[0] : f32 from vector<1xf32>
      %mul3A_192 = arith.constant 2.000000e+00 : f32
      %mul3A_193 = arith.mulf %mul3A_192, %squeeze3A_191 : f32
      %broadcast_in_dim3A_194 = vector.broadcast %mul3A_193 : f32 to vector<16xf32>
      %slice3A_195 = vector.extract_strided_slice %get3A_59 {offsets = [7], sizes = [1], strides = [1]} : vector<16xf32> to vector<1xf32>
      %squeeze3A_196 = vector.extract %slice3A_195[0] : f32 from vector<1xf32>
      %mul3A_197 = arith.constant -2.000000e+00 : f32
      %mul3A_198 = arith.mulf %mul3A_197, %squeeze3A_196 : f32
      %broadcast_in_dim3A_199 = vector.broadcast %mul3A_198 : f32 to vector<16xf32>
      %slice3A_200 = vector.extract_strided_slice %get3A_62 {offsets = [7], sizes = [1], strides = [1]} : vector<16xf32> to vector<1xf32>
      %squeeze3A_201 = vector.extract %slice3A_200[0] : f32 from vector<1xf32>
      %mul3A_202 = arith.constant -2.000000e+00 : f32
      %mul3A_203 = arith.mulf %mul3A_202, %squeeze3A_201 : f32
      %broadcast_in_dim3A_204 = vector.broadcast %mul3A_203 : f32 to vector<16xf32>
      %slice3A_205 = vector.extract_strided_slice %get3A_65 {offsets = [7], sizes = [1], strides = [1]} : vector<16xf32> to vector<1xf32>
      %squeeze3A_206 = vector.extract %slice3A_205[0] : f32 from vector<1xf32>
      %broadcast_in_dim3A_207 = vector.broadcast %squeeze3A_206 : f32 to vector<16xf32>
      %scan3A_208 = arith.constant 0 : i32
      %scan3A_209 = arith.constant 256 : i32
      %scan3A_210 = arith.addi %scan3A_208, %scan3A_209 : i32
      %scan3A_211 = arith.constant 1 : i32
      %scan3A_212:8 = scf.for %scan3A_920 = %scan3A_208 to %scan3A_210 step %scan3A_211 iter_args(%scan3A_921 = %broadcast_in_dim3A_38, %scan3A_922 = %broadcast_in_dim3A_38, %scan3A_923 = %broadcast_in_dim3A_38, %scan3A_924 = %broadcast_in_dim3A_38, %scan3A_925 = %broadcast_in_dim3A_38, %scan3A_926 = %broadcast_in_dim3A_38, %scan3A_927 = %broadcast_in_dim3A_38, %scan3A_928 = %broadcast_in_dim3A_38) -> (vector<16xf32>, vector<16xf32>, vector<16xf32>, vector<16xf32>, vector<16xf32>, vector<16xf32>, vector<16xf32>, vector<16xf32>)  : i32 {
        %mul3A_929 = arith.constant 16 : i32
        %mul3A_930 = arith.muli %scan3A_920, %mul3A_929 : i32
        %get3A_931 = arith.index_cast %mul3A_930 : i32 to index
        %get3A_932 = tpu.vector_load %arg9[%get3A_931] {strides = array<i32>} : memref<4096xf32, #tpu.memory_space<vmem>>, vector<16xf32>,
        %get3A_933 = vector.shape_cast %get3A_932 : vector<16xf32> to vector<16xf32>
        %mul3A_934 = arith.constant 16 : i32
        %mul3A_935 = arith.muli %scan3A_920, %mul3A_934 : i32
        %get3A_936 = arith.index_cast %mul3A_935 : i32 to index
        %get3A_937 = tpu.vector_load %arg10[%get3A_936] {strides = array<i32>} : memref<4096xf32, #tpu.memory_space<vmem>>, vector<16xf32>,
        %get3A_938 = vector.shape_cast %get3A_937 : vector<16xf32> to vector<16xf32>
        %mul3A_939 = arith.constant 16 : i32
        %mul3A_940 = arith.muli %scan3A_920, %mul3A_939 : i32
        %get3A_941 = arith.index_cast %mul3A_940 : i32 to index
        %get3A_942 = tpu.vector_load %arg11[%get3A_941] {strides = array<i32>} : memref<4096xf32, #tpu.memory_space<vmem>>, vector<16xf32>,
        %get3A_943 = vector.shape_cast %get3A_942 : vector<16xf32> to vector<16xf32>
        %mul3A_944 = arith.constant 16 : i32
        %mul3A_945 = arith.muli %scan3A_920, %mul3A_944 : i32
        %get3A_946 = arith.index_cast %mul3A_945 : i32 to index
        %get3A_947 = tpu.vector_load %arg12[%get3A_946] {strides = array<i32>} : memref<4096xf32, #tpu.memory_space<vmem>>, vector<16xf32>,
        %get3A_948 = vector.shape_cast %get3A_947 : vector<16xf32> to vector<16xf32>
        %mul3A_949 = arith.mulf %broadcast_in_dim3A_68, %get3A_933 : vector<16xf32>
        %mul3A_950 = arith.mulf %broadcast_in_dim3A_73, %get3A_938 : vector<16xf32>
        %add3A_951 = arith.addf %mul3A_949, %mul3A_950 : vector<16xf32>
        %mul3A_952 = arith.mulf %broadcast_in_dim3A_78, %get3A_943 : vector<16xf32>
        %add3A_953 = arith.addf %add3A_951, %mul3A_952 : vector<16xf32>
        %add3A_954 = arith.addf %get3A_948, %broadcast_in_dim3A_81 : vector<16xf32>
        %add3A_955 = arith.addf %add3A_954, %add3A_953 : vector<16xf32>
        %min3A_956 = arith.minimumf %scan3A_921, %add3A_955 : vector<16xf32>
        %mul3A_957 = arith.mulf %broadcast_in_dim3A_86, %get3A_933 : vector<16xf32>
        %mul3A_958 = arith.mulf %broadcast_in_dim3A_91, %get3A_938 : vector<16xf32>
        %add3A_959 = arith.addf %mul3A_957, %mul3A_958 : vector<16xf32>
        %mul3A_960 = arith.mulf %broadcast_in_dim3A_96, %get3A_943 : vector<16xf32>
        %add3A_961 = arith.addf %add3A_959, %mul3A_960 : vector<16xf32>
        %add3A_962 = arith.addf %get3A_948, %broadcast_in_dim3A_99 : vector<16xf32>
        %add3A_963 = arith.addf %add3A_962, %add3A_961 : vector<16xf32>
        %min3A_964 = arith.minimumf %scan3A_922, %add3A_963 : vector<16xf32>
        %mul3A_965 = arith.mulf %broadcast_in_dim3A_104, %get3A_933 : vector<16xf32>
        %mul3A_966 = arith.mulf %broadcast_in_dim3A_109, %get3A_938 : vector<16xf32>
        %add3A_967 = arith.addf %mul3A_965, %mul3A_966 : vector<16xf32>
        %mul3A_968 = arith.mulf %broadcast_in_dim3A_114, %get3A_943 : vector<16xf32>
        %add3A_969 = arith.addf %add3A_967, %mul3A_968 : vector<16xf32>
        %add3A_970 = arith.addf %get3A_948, %broadcast_in_dim3A_117 : vector<16xf32>
        %add3A_971 = arith.addf %add3A_970, %add3A_969 : vector<16xf32>
        %min3A_972 = arith.minimumf %scan3A_923, %add3A_971 : vector<16xf32>
        %mul3A_973 = arith.mulf %broadcast_in_dim3A_122, %get3A_933 : vector<16xf32>
        %mul3A_974 = arith.mulf %broadcast_in_dim3A_127, %get3A_938 : vector<16xf32>
        %add3A_975 = arith.addf %mul3A_973, %mul3A_974 : vector<16xf32>
        %mul3A_976 = arith.mulf %broadcast_in_dim3A_132, %get3A_943 : vector<16xf32>
        %add3A_977 = arith.addf %add3A_975, %mul3A_976 : vector<16xf32>
        %add3A_978 = arith.addf %get3A_948, %broadcast_in_dim3A_135 : vector<16xf32>
        %add3A_979 = arith.addf %add3A_978, %add3A_977 : vector<16xf32>
        %min3A_980 = arith.minimumf %scan3A_924, %add3A_979 : vector<16xf32>
        %mul3A_981 = arith.mulf %broadcast_in_dim3A_140, %get3A_933 : vector<16xf32>
        %mul3A_982 = arith.mulf %broadcast_in_dim3A_145, %get3A_938 : vector<16xf32>
        %add3A_983 = arith.addf %mul3A_981, %mul3A_982 : vector<16xf32>
        %mul3A_984 = arith.mulf %broadcast_in_dim3A_150, %get3A_943 : vector<16xf32>
        %add3A_985 = arith.addf %add3A_983, %mul3A_984 : vector<16xf32>
        %add3A_986 = arith.addf %get3A_948, %broadcast_in_dim3A_153 : vector<16xf32>
        %add3A_987 = arith.addf %add3A_986, %add3A_985 : vector<16xf32>
        %min3A_988 = arith.minimumf %scan3A_925, %add3A_987 : vector<16xf32>
        %mul3A_989 = arith.mulf %broadcast_in_dim3A_158, %get3A_933 : vector<16xf32>
        %mul3A_990 = arith.mulf %broadcast_in_dim3A_163, %get3A_938 : vector<16xf32>
        %add3A_991 = arith.addf %mul3A_989, %mul3A_990 : vector<16xf32>
        %mul3A_992 = arith.mulf %broadcast_in_dim3A_168, %get3A_943 : vector<16xf32>
        %add3A_993 = arith.addf %add3A_991, %mul3A_992 : vector<16xf32>
        %add3A_994 = arith.addf %get3A_948, %broadcast_in_dim3A_171 : vector<16xf32>
        %add3A_995 = arith.addf %add3A_994, %add3A_993 : vector<16xf32>
        %min3A_996 = arith.minimumf %scan3A_926, %add3A_995 : vector<16xf32>
        %mul3A_997 = arith.mulf %broadcast_in_dim3A_176, %get3A_933 : vector<16xf32>
        %mul3A_998 = arith.mulf %broadcast_in_dim3A_181, %get3A_938 : vector<16xf32>
        %add3A_999 = arith.addf %mul3A_997, %mul3A_998 : vector<16xf32>
        %mul3A_1000 = arith.mulf %broadcast_in_dim3A_186, %get3A_943 : vector<16xf32>
        %add3A_1001 = arith.addf %add3A_999, %mul3A_1000 : vector<16xf32>
        %add3A_1002 = arith.addf %get3A_948, %broadcast_in_dim3A_189 : vector<16xf32>
        %add3A_1003 = arith.addf %add3A_1002, %add3A_1001 : vector<16xf32>
        %min3A_1004 = arith.minimumf %scan3A_927, %add3A_1003 : vector<16xf32>
        %mul3A_1005 = arith.mulf %broadcast_in_dim3A_194, %get3A_933 : vector<16xf32>
        %mul3A_1006 = arith.mulf %broadcast_in_dim3A_199, %get3A_938 : vector<16xf32>
        %add3A_1007 = arith.addf %mul3A_1005, %mul3A_1006 : vector<16xf32>
        %mul3A_1008 = arith.mulf %broadcast_in_dim3A_204, %get3A_943 : vector<16xf32>
        %add3A_1009 = arith.addf %add3A_1007, %mul3A_1008 : vector<16xf32>
        %add3A_1010 = arith.addf %get3A_948, %broadcast_in_dim3A_207 : vector<16xf32>
        %add3A_1011 = arith.addf %add3A_1010, %add3A_1009 : vector<16xf32>
        %min3A_1012 = arith.minimumf %scan3A_928, %add3A_1011 : vector<16xf32>
        scf.yield %min3A_956, %min3A_964, %min3A_972, %min3A_980, %min3A_988, %min3A_996, %min3A_1004, %min3A_1012 : vector<16xf32>, vector<16xf32>, vector<16xf32>, vector<16xf32>, vector<16xf32>, vector<16xf32>, vector<16xf32>, vector<16xf32>
      }
      %scan3A_213 = arith.constant 256 : i32
      %iota3A = tpu.iota {dimensions = array<i32: 0>} : vector<16xi32>
      %xor3A = arith.constant 8 : i32
      %xor3A_214 = vector.broadcast %xor3A : i32 to vector<16xi32>
      %xor3A_215 = arith.xori %iota3A, %xor3A_214 : vector<16xi32>
      %broadcast_in_dim3A_216 = vector.shape_cast %xor3A_215 : vector<16xi32> to vector<16x1xi32>
      %gather3A = vector.shape_cast %broadcast_in_dim3A_216 : vector<16x1xi32> to vector<16xi32>
      %gather3A_217 = tpu.dynamic_gather %scan3A_212#0[%gather3A] in [0] : vector<16xf32>, vector<16xi32> -> vector<16xf32>
      %min3A = arith.minimumf %scan3A_212#0, %gather3A_217 : vector<16xf32>
      %iota3A_218 = tpu.iota {dimensions = array<i32: 0>} : vector<16xi32>
      %xor3A_219 = arith.constant 4 : i32
      %xor3A_220 = vector.broadcast %xor3A_219 : i32 to vector<16xi32>
      %xor3A_221 = arith.xori %iota3A_218, %xor3A_220 : vector<16xi32>
      %broadcast_in_dim3A_222 = vector.shape_cast %xor3A_221 : vector<16xi32> to vector<16x1xi32>
      %gather3A_223 = vector.shape_cast %broadcast_in_dim3A_222 : vector<16x1xi32> to vector<16xi32>
      %gather3A_224 = tpu.dynamic_gather %min3A[%gather3A_223] in [0] : vector<16xf32>, vector<16xi32> -> vector<16xf32>
      %min3A_225 = arith.minimumf %min3A, %gather3A_224 : vector<16xf32>
      %iota3A_226 = tpu.iota {dimensions = array<i32: 0>} : vector<16xi32>
      %xor3A_227 = arith.constant 2 : i32
      %xor3A_228 = vector.broadcast %xor3A_227 : i32 to vector<16xi32>
      %xor3A_229 = arith.xori %iota3A_226, %xor3A_228 : vector<16xi32>
      %broadcast_in_dim3A_230 = vector.shape_cast %xor3A_229 : vector<16xi32> to vector<16x1xi32>
      %gather3A_231 = vector.shape_cast %broadcast_in_dim3A_230 : vector<16x1xi32> to vector<16xi32>
      %gather3A_232 = tpu.dynamic_gather %min3A_225[%gather3A_231] in [0] : vector<16xf32>, vector<16xi32> -> vector<16xf32>
      %min3A_233 = arith.minimumf %min3A_225, %gather3A_232 : vector<16xf32>
      %iota3A_234 = tpu.iota {dimensions = array<i32: 0>} : vector<16xi32>
      %xor3A_235 = arith.constant 1 : i32
      %xor3A_236 = vector.broadcast %xor3A_235 : i32 to vector<16xi32>
      %xor3A_237 = arith.xori %iota3A_234, %xor3A_236 : vector<16xi32>
      %broadcast_in_dim3A_238 = vector.shape_cast %xor3A_237 : vector<16xi32> to vector<16x1xi32>
      %gather3A_239 = vector.shape_cast %broadcast_in_dim3A_238 : vector<16x1xi32> to vector<16xi32>
      %gather3A_240 = tpu.dynamic_gather %min3A_233[%gather3A_239] in [0] : vector<16xf32>, vector<16xi32> -> vector<16xf32>
      %min3A_241 = arith.minimumf %min3A_233, %gather3A_240 : vector<16xf32>
      %slice3A_242 = vector.extract_strided_slice %min3A_241 {offsets = [0], sizes = [1], strides = [1]} : vector<16xf32> to vector<1xf32>
      %squeeze3A_243 = vector.extract %slice3A_242[0] : f32 from vector<1xf32>
      %add3A_244 = arith.addf %scan3A_51, %squeeze3A_243 : f32
      %iota3A_245 = tpu.iota {dimensions = array<i32: 0>} : vector<16xi32>
      %xor3A_246 = arith.constant 8 : i32
      %xor3A_247 = vector.broadcast %xor3A_246 : i32 to vector<16xi32>
      %xor3A_248 = arith.xori %iota3A_245, %xor3A_247 : vector<16xi32>
      %broadcast_in_dim3A_249 = vector.shape_cast %xor3A_248 : vector<16xi32> to vector<16x1xi32>
      %gather3A_250 = vector.shape_cast %broadcast_in_dim3A_249 : vector<16x1xi32> to vector<16xi32>
      %gather3A_251 = tpu.dynamic_gather %scan3A_212#1[%gather3A_250] in [0] : vector<16xf32>, vector<16xi32> -> vector<16xf32>
      %min3A_252 = arith.minimumf %scan3A_212#1, %gather3A_251 : vector<16xf32>
      %iota3A_253 = tpu.iota {dimensions = array<i32: 0>} : vector<16xi32>
      %xor3A_254 = arith.constant 4 : i32
      %xor3A_255 = vector.broadcast %xor3A_254 : i32 to vector<16xi32>
      %xor3A_256 = arith.xori %iota3A_253, %xor3A_255 : vector<16xi32>
      %broadcast_in_dim3A_257 = vector.shape_cast %xor3A_256 : vector<16xi32> to vector<16x1xi32>
      %gather3A_258 = vector.shape_cast %broadcast_in_dim3A_257 : vector<16x1xi32> to vector<16xi32>
      %gather3A_259 = tpu.dynamic_gather %min3A_252[%gather3A_258] in [0] : vector<16xf32>, vector<16xi32> -> vector<16xf32>
      %min3A_260 = arith.minimumf %min3A_252, %gather3A_259 : vector<16xf32>
      %iota3A_261 = tpu.iota {dimensions = array<i32: 0>} : vector<16xi32>
      %xor3A_262 = arith.constant 2 : i32
      %xor3A_263 = vector.broadcast %xor3A_262 : i32 to vector<16xi32>
      %xor3A_264 = arith.xori %iota3A_261, %xor3A_263 : vector<16xi32>
      %broadcast_in_dim3A_265 = vector.shape_cast %xor3A_264 : vector<16xi32> to vector<16x1xi32>
      %gather3A_266 = vector.shape_cast %broadcast_in_dim3A_265 : vector<16x1xi32> to vector<16xi32>
      %gather3A_267 = tpu.dynamic_gather %min3A_260[%gather3A_266] in [0] : vector<16xf32>, vector<16xi32> -> vector<16xf32>
      %min3A_268 = arith.minimumf %min3A_260, %gather3A_267 : vector<16xf32>
      %iota3A_269 = tpu.iota {dimensions = array<i32: 0>} : vector<16xi32>
      %xor3A_270 = arith.constant 1 : i32
      %xor3A_271 = vector.broadcast %xor3A_270 : i32 to vector<16xi32>
      %xor3A_272 = arith.xori %iota3A_269, %xor3A_271 : vector<16xi32>
      %broadcast_in_dim3A_273 = vector.shape_cast %xor3A_272 : vector<16xi32> to vector<16x1xi32>
      %gather3A_274 = vector.shape_cast %broadcast_in_dim3A_273 : vector<16x1xi32> to vector<16xi32>
      %gather3A_275 = tpu.dynamic_gather %min3A_268[%gather3A_274] in [0] : vector<16xf32>, vector<16xi32> -> vector<16xf32>
      %min3A_276 = arith.minimumf %min3A_268, %gather3A_275 : vector<16xf32>
      %slice3A_277 = vector.extract_strided_slice %min3A_276 {offsets = [0], sizes = [1], strides = [1]} : vector<16xf32> to vector<1xf32>
      %squeeze3A_278 = vector.extract %slice3A_277[0] : f32 from vector<1xf32>
      %add3A_279 = arith.addf %add3A_244, %squeeze3A_278 : f32
      %iota3A_280 = tpu.iota {dimensions = array<i32: 0>} : vector<16xi32>
      %xor3A_281 = arith.constant 8 : i32
      %xor3A_282 = vector.broadcast %xor3A_281 : i32 to vector<16xi32>
      %xor3A_283 = arith.xori %iota3A_280, %xor3A_282 : vector<16xi32>
      %broadcast_in_dim3A_284 = vector.shape_cast %xor3A_283 : vector<16xi32> to vector<16x1xi32>
      %gather3A_285 = vector.shape_cast %broadcast_in_dim3A_284 : vector<16x1xi32> to vector<16xi32>
      %gather3A_286 = tpu.dynamic_gather %scan3A_212#2[%gather3A_285] in [0] : vector<16xf32>, vector<16xi32> -> vector<16xf32>
      %min3A_287 = arith.minimumf %scan3A_212#2, %gather3A_286 : vector<16xf32>
      %iota3A_288 = tpu.iota {dimensions = array<i32: 0>} : vector<16xi32>
      %xor3A_289 = arith.constant 4 : i32
      %xor3A_290 = vector.broadcast %xor3A_289 : i32 to vector<16xi32>
      %xor3A_291 = arith.xori %iota3A_288, %xor3A_290 : vector<16xi32>
      %broadcast_in_dim3A_292 = vector.shape_cast %xor3A_291 : vector<16xi32> to vector<16x1xi32>
      %gather3A_293 = vector.shape_cast %broadcast_in_dim3A_292 : vector<16x1xi32> to vector<16xi32>
      %gather3A_294 = tpu.dynamic_gather %min3A_287[%gather3A_293] in [0] : vector<16xf32>, vector<16xi32> -> vector<16xf32>
      %min3A_295 = arith.minimumf %min3A_287, %gather3A_294 : vector<16xf32>
      %iota3A_296 = tpu.iota {dimensions = array<i32: 0>} : vector<16xi32>
      %xor3A_297 = arith.constant 2 : i32
      %xor3A_298 = vector.broadcast %xor3A_297 : i32 to vector<16xi32>
      %xor3A_299 = arith.xori %iota3A_296, %xor3A_298 : vector<16xi32>
      %broadcast_in_dim3A_300 = vector.shape_cast %xor3A_299 : vector<16xi32> to vector<16x1xi32>
      %gather3A_301 = vector.shape_cast %broadcast_in_dim3A_300 : vector<16x1xi32> to vector<16xi32>
      %gather3A_302 = tpu.dynamic_gather %min3A_295[%gather3A_301] in [0] : vector<16xf32>, vector<16xi32> -> vector<16xf32>
      %min3A_303 = arith.minimumf %min3A_295, %gather3A_302 : vector<16xf32>
      %iota3A_304 = tpu.iota {dimensions = array<i32: 0>} : vector<16xi32>
      %xor3A_305 = arith.constant 1 : i32
      %xor3A_306 = vector.broadcast %xor3A_305 : i32 to vector<16xi32>
      %xor3A_307 = arith.xori %iota3A_304, %xor3A_306 : vector<16xi32>
      %broadcast_in_dim3A_308 = vector.shape_cast %xor3A_307 : vector<16xi32> to vector<16x1xi32>
      %gather3A_309 = vector.shape_cast %broadcast_in_dim3A_308 : vector<16x1xi32> to vector<16xi32>
      %gather3A_310 = tpu.dynamic_gather %min3A_303[%gather3A_309] in [0] : vector<16xf32>, vector<16xi32> -> vector<16xf32>
      %min3A_311 = arith.minimumf %min3A_303, %gather3A_310 : vector<16xf32>
      %slice3A_312 = vector.extract_strided_slice %min3A_311 {offsets = [0], sizes = [1], strides = [1]} : vector<16xf32> to vector<1xf32>
      %squeeze3A_313 = vector.extract %slice3A_312[0] : f32 from vector<1xf32>
      %add3A_314 = arith.addf %add3A_279, %squeeze3A_313 : f32
      %iota3A_315 = tpu.iota {dimensions = array<i32: 0>} : vector<16xi32>
      %xor3A_316 = arith.constant 8 : i32
      %xor3A_317 = vector.broadcast %xor3A_316 : i32 to vector<16xi32>
      %xor3A_318 = arith.xori %iota3A_315, %xor3A_317 : vector<16xi32>
      %broadcast_in_dim3A_319 = vector.shape_cast %xor3A_318 : vector<16xi32> to vector<16x1xi32>
      %gather3A_320 = vector.shape_cast %broadcast_in_dim3A_319 : vector<16x1xi32> to vector<16xi32>
      %gather3A_321 = tpu.dynamic_gather %scan3A_212#3[%gather3A_320] in [0] : vector<16xf32>, vector<16xi32> -> vector<16xf32>
      %min3A_322 = arith.minimumf %scan3A_212#3, %gather3A_321 : vector<16xf32>
      %iota3A_323 = tpu.iota {dimensions = array<i32: 0>} : vector<16xi32>
      %xor3A_324 = arith.constant 4 : i32
      %xor3A_325 = vector.broadcast %xor3A_324 : i32 to vector<16xi32>
      %xor3A_326 = arith.xori %iota3A_323, %xor3A_325 : vector<16xi32>
      %broadcast_in_dim3A_327 = vector.shape_cast %xor3A_326 : vector<16xi32> to vector<16x1xi32>
      %gather3A_328 = vector.shape_cast %broadcast_in_dim3A_327 : vector<16x1xi32> to vector<16xi32>
      %gather3A_329 = tpu.dynamic_gather %min3A_322[%gather3A_328] in [0] : vector<16xf32>, vector<16xi32> -> vector<16xf32>
      %min3A_330 = arith.minimumf %min3A_322, %gather3A_329 : vector<16xf32>
      %iota3A_331 = tpu.iota {dimensions = array<i32: 0>} : vector<16xi32>
      %xor3A_332 = arith.constant 2 : i32
      %xor3A_333 = vector.broadcast %xor3A_332 : i32 to vector<16xi32>
      %xor3A_334 = arith.xori %iota3A_331, %xor3A_333 : vector<16xi32>
      %broadcast_in_dim3A_335 = vector.shape_cast %xor3A_334 : vector<16xi32> to vector<16x1xi32>
      %gather3A_336 = vector.shape_cast %broadcast_in_dim3A_335 : vector<16x1xi32> to vector<16xi32>
      %gather3A_337 = tpu.dynamic_gather %min3A_330[%gather3A_336] in [0] : vector<16xf32>, vector<16xi32> -> vector<16xf32>
      %min3A_338 = arith.minimumf %min3A_330, %gather3A_337 : vector<16xf32>
      %iota3A_339 = tpu.iota {dimensions = array<i32: 0>} : vector<16xi32>
      %xor3A_340 = arith.constant 1 : i32
      %xor3A_341 = vector.broadcast %xor3A_340 : i32 to vector<16xi32>
      %xor3A_342 = arith.xori %iota3A_339, %xor3A_341 : vector<16xi32>
      %broadcast_in_dim3A_343 = vector.shape_cast %xor3A_342 : vector<16xi32> to vector<16x1xi32>
      %gather3A_344 = vector.shape_cast %broadcast_in_dim3A_343 : vector<16x1xi32> to vector<16xi32>
      %gather3A_345 = tpu.dynamic_gather %min3A_338[%gather3A_344] in [0] : vector<16xf32>, vector<16xi32> -> vector<16xf32>
      %min3A_346 = arith.minimumf %min3A_338, %gather3A_345 : vector<16xf32>
      %slice3A_347 = vector.extract_strided_slice %min3A_346 {offsets = [0], sizes = [1], strides = [1]} : vector<16xf32> to vector<1xf32>
      %squeeze3A_348 = vector.extract %slice3A_347[0] : f32 from vector<1xf32>
      %add3A_349 = arith.addf %add3A_314, %squeeze3A_348 : f32
      %iota3A_350 = tpu.iota {dimensions = array<i32: 0>} : vector<16xi32>
      %xor3A_351 = arith.constant 8 : i32
      %xor3A_352 = vector.broadcast %xor3A_351 : i32 to vector<16xi32>
      %xor3A_353 = arith.xori %iota3A_350, %xor3A_352 : vector<16xi32>
      %broadcast_in_dim3A_354 = vector.shape_cast %xor3A_353 : vector<16xi32> to vector<16x1xi32>
      %gather3A_355 = vector.shape_cast %broadcast_in_dim3A_354 : vector<16x1xi32> to vector<16xi32>
      %gather3A_356 = tpu.dynamic_gather %scan3A_212#4[%gather3A_355] in [0] : vector<16xf32>, vector<16xi32> -> vector<16xf32>
      %min3A_357 = arith.minimumf %scan3A_212#4, %gather3A_356 : vector<16xf32>
      %iota3A_358 = tpu.iota {dimensions = array<i32: 0>} : vector<16xi32>
      %xor3A_359 = arith.constant 4 : i32
      %xor3A_360 = vector.broadcast %xor3A_359 : i32 to vector<16xi32>
      %xor3A_361 = arith.xori %iota3A_358, %xor3A_360 : vector<16xi32>
      %broadcast_in_dim3A_362 = vector.shape_cast %xor3A_361 : vector<16xi32> to vector<16x1xi32>
      %gather3A_363 = vector.shape_cast %broadcast_in_dim3A_362 : vector<16x1xi32> to vector<16xi32>
      %gather3A_364 = tpu.dynamic_gather %min3A_357[%gather3A_363] in [0] : vector<16xf32>, vector<16xi32> -> vector<16xf32>
      %min3A_365 = arith.minimumf %min3A_357, %gather3A_364 : vector<16xf32>
      %iota3A_366 = tpu.iota {dimensions = array<i32: 0>} : vector<16xi32>
      %xor3A_367 = arith.constant 2 : i32
      %xor3A_368 = vector.broadcast %xor3A_367 : i32 to vector<16xi32>
      %xor3A_369 = arith.xori %iota3A_366, %xor3A_368 : vector<16xi32>
      %broadcast_in_dim3A_370 = vector.shape_cast %xor3A_369 : vector<16xi32> to vector<16x1xi32>
      %gather3A_371 = vector.shape_cast %broadcast_in_dim3A_370 : vector<16x1xi32> to vector<16xi32>
      %gather3A_372 = tpu.dynamic_gather %min3A_365[%gather3A_371] in [0] : vector<16xf32>, vector<16xi32> -> vector<16xf32>
      %min3A_373 = arith.minimumf %min3A_365, %gather3A_372 : vector<16xf32>
      %iota3A_374 = tpu.iota {dimensions = array<i32: 0>} : vector<16xi32>
      %xor3A_375 = arith.constant 1 : i32
      %xor3A_376 = vector.broadcast %xor3A_375 : i32 to vector<16xi32>
      %xor3A_377 = arith.xori %iota3A_374, %xor3A_376 : vector<16xi32>
      %broadcast_in_dim3A_378 = vector.shape_cast %xor3A_377 : vector<16xi32> to vector<16x1xi32>
      %gather3A_379 = vector.shape_cast %broadcast_in_dim3A_378 : vector<16x1xi32> to vector<16xi32>
      %gather3A_380 = tpu.dynamic_gather %min3A_373[%gather3A_379] in [0] : vector<16xf32>, vector<16xi32> -> vector<16xf32>
      %min3A_381 = arith.minimumf %min3A_373, %gather3A_380 : vector<16xf32>
      %slice3A_382 = vector.extract_strided_slice %min3A_381 {offsets = [0], sizes = [1], strides = [1]} : vector<16xf32> to vector<1xf32>
      %squeeze3A_383 = vector.extract %slice3A_382[0] : f32 from vector<1xf32>
      %add3A_384 = arith.addf %add3A_349, %squeeze3A_383 : f32
      %iota3A_385 = tpu.iota {dimensions = array<i32: 0>} : vector<16xi32>
      %xor3A_386 = arith.constant 8 : i32
      %xor3A_387 = vector.broadcast %xor3A_386 : i32 to vector<16xi32>
      %xor3A_388 = arith.xori %iota3A_385, %xor3A_387 : vector<16xi32>
      %broadcast_in_dim3A_389 = vector.shape_cast %xor3A_388 : vector<16xi32> to vector<16x1xi32>
      %gather3A_390 = vector.shape_cast %broadcast_in_dim3A_389 : vector<16x1xi32> to vector<16xi32>
      %gather3A_391 = tpu.dynamic_gather %scan3A_212#5[%gather3A_390] in [0] : vector<16xf32>, vector<16xi32> -> vector<16xf32>
      %min3A_392 = arith.minimumf %scan3A_212#5, %gather3A_391 : vector<16xf32>
      %iota3A_393 = tpu.iota {dimensions = array<i32: 0>} : vector<16xi32>
      %xor3A_394 = arith.constant 4 : i32
      %xor3A_395 = vector.broadcast %xor3A_394 : i32 to vector<16xi32>
      %xor3A_396 = arith.xori %iota3A_393, %xor3A_395 : vector<16xi32>
      %broadcast_in_dim3A_397 = vector.shape_cast %xor3A_396 : vector<16xi32> to vector<16x1xi32>
      %gather3A_398 = vector.shape_cast %broadcast_in_dim3A_397 : vector<16x1xi32> to vector<16xi32>
      %gather3A_399 = tpu.dynamic_gather %min3A_392[%gather3A_398] in [0] : vector<16xf32>, vector<16xi32> -> vector<16xf32>
      %min3A_400 = arith.minimumf %min3A_392, %gather3A_399 : vector<16xf32>
      %iota3A_401 = tpu.iota {dimensions = array<i32: 0>} : vector<16xi32>
      %xor3A_402 = arith.constant 2 : i32
      %xor3A_403 = vector.broadcast %xor3A_402 : i32 to vector<16xi32>
      %xor3A_404 = arith.xori %iota3A_401, %xor3A_403 : vector<16xi32>
      %broadcast_in_dim3A_405 = vector.shape_cast %xor3A_404 : vector<16xi32> to vector<16x1xi32>
      %gather3A_406 = vector.shape_cast %broadcast_in_dim3A_405 : vector<16x1xi32> to vector<16xi32>
      %gather3A_407 = tpu.dynamic_gather %min3A_400[%gather3A_406] in [0] : vector<16xf32>, vector<16xi32> -> vector<16xf32>
      %min3A_408 = arith.minimumf %min3A_400, %gather3A_407 : vector<16xf32>
      %iota3A_409 = tpu.iota {dimensions = array<i32: 0>} : vector<16xi32>
      %xor3A_410 = arith.constant 1 : i32
      %xor3A_411 = vector.broadcast %xor3A_410 : i32 to vector<16xi32>
      %xor3A_412 = arith.xori %iota3A_409, %xor3A_411 : vector<16xi32>
      %broadcast_in_dim3A_413 = vector.shape_cast %xor3A_412 : vector<16xi32> to vector<16x1xi32>
      %gather3A_414 = vector.shape_cast %broadcast_in_dim3A_413 : vector<16x1xi32> to vector<16xi32>
      %gather3A_415 = tpu.dynamic_gather %min3A_408[%gather3A_414] in [0] : vector<16xf32>, vector<16xi32> -> vector<16xf32>
      %min3A_416 = arith.minimumf %min3A_408, %gather3A_415 : vector<16xf32>
      %slice3A_417 = vector.extract_strided_slice %min3A_416 {offsets = [0], sizes = [1], strides = [1]} : vector<16xf32> to vector<1xf32>
      %squeeze3A_418 = vector.extract %slice3A_417[0] : f32 from vector<1xf32>
      %add3A_419 = arith.addf %add3A_384, %squeeze3A_418 : f32
      %iota3A_420 = tpu.iota {dimensions = array<i32: 0>} : vector<16xi32>
      %xor3A_421 = arith.constant 8 : i32
      %xor3A_422 = vector.broadcast %xor3A_421 : i32 to vector<16xi32>
      %xor3A_423 = arith.xori %iota3A_420, %xor3A_422 : vector<16xi32>
      %broadcast_in_dim3A_424 = vector.shape_cast %xor3A_423 : vector<16xi32> to vector<16x1xi32>
      %gather3A_425 = vector.shape_cast %broadcast_in_dim3A_424 : vector<16x1xi32> to vector<16xi32>
      %gather3A_426 = tpu.dynamic_gather %scan3A_212#6[%gather3A_425] in [0] : vector<16xf32>, vector<16xi32> -> vector<16xf32>
      %min3A_427 = arith.minimumf %scan3A_212#6, %gather3A_426 : vector<16xf32>
      %iota3A_428 = tpu.iota {dimensions = array<i32: 0>} : vector<16xi32>
      %xor3A_429 = arith.constant 4 : i32
      %xor3A_430 = vector.broadcast %xor3A_429 : i32 to vector<16xi32>
      %xor3A_431 = arith.xori %iota3A_428, %xor3A_430 : vector<16xi32>
      %broadcast_in_dim3A_432 = vector.shape_cast %xor3A_431 : vector<16xi32> to vector<16x1xi32>
      %gather3A_433 = vector.shape_cast %broadcast_in_dim3A_432 : vector<16x1xi32> to vector<16xi32>
      %gather3A_434 = tpu.dynamic_gather %min3A_427[%gather3A_433] in [0] : vector<16xf32>, vector<16xi32> -> vector<16xf32>
      %min3A_435 = arith.minimumf %min3A_427, %gather3A_434 : vector<16xf32>
      %iota3A_436 = tpu.iota {dimensions = array<i32: 0>} : vector<16xi32>
      %xor3A_437 = arith.constant 2 : i32
      %xor3A_438 = vector.broadcast %xor3A_437 : i32 to vector<16xi32>
      %xor3A_439 = arith.xori %iota3A_436, %xor3A_438 : vector<16xi32>
      %broadcast_in_dim3A_440 = vector.shape_cast %xor3A_439 : vector<16xi32> to vector<16x1xi32>
      %gather3A_441 = vector.shape_cast %broadcast_in_dim3A_440 : vector<16x1xi32> to vector<16xi32>
      %gather3A_442 = tpu.dynamic_gather %min3A_435[%gather3A_441] in [0] : vector<16xf32>, vector<16xi32> -> vector<16xf32>
      %min3A_443 = arith.minimumf %min3A_435, %gather3A_442 : vector<16xf32>
      %iota3A_444 = tpu.iota {dimensions = array<i32: 0>} : vector<16xi32>
      %xor3A_445 = arith.constant 1 : i32
      %xor3A_446 = vector.broadcast %xor3A_445 : i32 to vector<16xi32>
      %xor3A_447 = arith.xori %iota3A_444, %xor3A_446 : vector<16xi32>
      %broadcast_in_dim3A_448 = vector.shape_cast %xor3A_447 : vector<16xi32> to vector<16x1xi32>
      %gather3A_449 = vector.shape_cast %broadcast_in_dim3A_448 : vector<16x1xi32> to vector<16xi32>
      %gather3A_450 = tpu.dynamic_gather %min3A_443[%gather3A_449] in [0] : vector<16xf32>, vector<16xi32> -> vector<16xf32>
      %min3A_451 = arith.minimumf %min3A_443, %gather3A_450 : vector<16xf32>
      %slice3A_452 = vector.extract_strided_slice %min3A_451 {offsets = [0], sizes = [1], strides = [1]} : vector<16xf32> to vector<1xf32>
      %squeeze3A_453 = vector.extract %slice3A_452[0] : f32 from vector<1xf32>
      %add3A_454 = arith.addf %add3A_419, %squeeze3A_453 : f32
      %iota3A_455 = tpu.iota {dimensions = array<i32: 0>} : vector<16xi32>
      %xor3A_456 = arith.constant 8 : i32
      %xor3A_457 = vector.broadcast %xor3A_456 : i32 to vector<16xi32>
      %xor3A_458 = arith.xori %iota3A_455, %xor3A_457 : vector<16xi32>
      %broadcast_in_dim3A_459 = vector.shape_cast %xor3A_458 : vector<16xi32> to vector<16x1xi32>
      %gather3A_460 = vector.shape_cast %broadcast_in_dim3A_459 : vector<16x1xi32> to vector<16xi32>
      %gather3A_461 = tpu.dynamic_gather %scan3A_212#7[%gather3A_460] in [0] : vector<16xf32>, vector<16xi32> -> vector<16xf32>
      %min3A_462 = arith.minimumf %scan3A_212#7, %gather3A_461 : vector<16xf32>
      %iota3A_463 = tpu.iota {dimensions = array<i32: 0>} : vector<16xi32>
      %xor3A_464 = arith.constant 4 : i32
      %xor3A_465 = vector.broadcast %xor3A_464 : i32 to vector<16xi32>
      %xor3A_466 = arith.xori %iota3A_463, %xor3A_465 : vector<16xi32>
      %broadcast_in_dim3A_467 = vector.shape_cast %xor3A_466 : vector<16xi32> to vector<16x1xi32>
      %gather3A_468 = vector.shape_cast %broadcast_in_dim3A_467 : vector<16x1xi32> to vector<16xi32>
      %gather3A_469 = tpu.dynamic_gather %min3A_462[%gather3A_468] in [0] : vector<16xf32>, vector<16xi32> -> vector<16xf32>
      %min3A_470 = arith.minimumf %min3A_462, %gather3A_469 : vector<16xf32>
      %iota3A_471 = tpu.iota {dimensions = array<i32: 0>} : vector<16xi32>
      %xor3A_472 = arith.constant 2 : i32
      %xor3A_473 = vector.broadcast %xor3A_472 : i32 to vector<16xi32>
      %xor3A_474 = arith.xori %iota3A_471, %xor3A_473 : vector<16xi32>
      %broadcast_in_dim3A_475 = vector.shape_cast %xor3A_474 : vector<16xi32> to vector<16x1xi32>
      %gather3A_476 = vector.shape_cast %broadcast_in_dim3A_475 : vector<16x1xi32> to vector<16xi32>
      %gather3A_477 = tpu.dynamic_gather %min3A_470[%gather3A_476] in [0] : vector<16xf32>, vector<16xi32> -> vector<16xf32>
      %min3A_478 = arith.minimumf %min3A_470, %gather3A_477 : vector<16xf32>
      %iota3A_479 = tpu.iota {dimensions = array<i32: 0>} : vector<16xi32>
      %xor3A_480 = arith.constant 1 : i32
      %xor3A_481 = vector.broadcast %xor3A_480 : i32 to vector<16xi32>
      %xor3A_482 = arith.xori %iota3A_479, %xor3A_481 : vector<16xi32>
      %broadcast_in_dim3A_483 = vector.shape_cast %xor3A_482 : vector<16xi32> to vector<16x1xi32>
      %gather3A_484 = vector.shape_cast %broadcast_in_dim3A_483 : vector<16x1xi32> to vector<16xi32>
      %gather3A_485 = tpu.dynamic_gather %min3A_478[%gather3A_484] in [0] : vector<16xf32>, vector<16xi32> -> vector<16xf32>
      %min3A_486 = arith.minimumf %min3A_478, %gather3A_485 : vector<16xf32>
      %slice3A_487 = vector.extract_strided_slice %min3A_486 {offsets = [0], sizes = [1], strides = [1]} : vector<16xf32> to vector<1xf32>
      %squeeze3A_488 = vector.extract %slice3A_487[0] : f32 from vector<1xf32>
      %add3A_489 = arith.addf %add3A_454, %squeeze3A_488 : f32
      %slice3A_490 = vector.extract_strided_slice %get3A_56 {offsets = [8], sizes = [1], strides = [1]} : vector<16xf32> to vector<1xf32>
      %squeeze3A_491 = vector.extract %slice3A_490[0] : f32 from vector<1xf32>
      %mul3A_492 = arith.constant 2.000000e+00 : f32
      %mul3A_493 = arith.mulf %mul3A_492, %squeeze3A_491 : f32
      %broadcast_in_dim3A_494 = vector.broadcast %mul3A_493 : f32 to vector<16xf32>
      %slice3A_495 = vector.extract_strided_slice %get3A_59 {offsets = [8], sizes = [1], strides = [1]} : vector<16xf32> to vector<1xf32>
      %squeeze3A_496 = vector.extract %slice3A_495[0] : f32 from vector<1xf32>
      %mul3A_497 = arith.constant -2.000000e+00 : f32
      %mul3A_498 = arith.mulf %mul3A_497, %squeeze3A_496 : f32
      %broadcast_in_dim3A_499 = vector.broadcast %mul3A_498 : f32 to vector<16xf32>
      %slice3A_500 = vector.extract_strided_slice %get3A_62 {offsets = [8], sizes = [1], strides = [1]} : vector<16xf32> to vector<1xf32>
      %squeeze3A_501 = vector.extract %slice3A_500[0] : f32 from vector<1xf32>
      %mul3A_502 = arith.constant -2.000000e+00 : f32
      %mul3A_503 = arith.mulf %mul3A_502, %squeeze3A_501 : f32
      %broadcast_in_dim3A_504 = vector.broadcast %mul3A_503 : f32 to vector<16xf32>
      %slice3A_505 = vector.extract_strided_slice %get3A_65 {offsets = [8], sizes = [1], strides = [1]} : vector<16xf32> to vector<1xf32>
      %squeeze3A_506 = vector.extract %slice3A_505[0] : f32 from vector<1xf32>
      %broadcast_in_dim3A_507 = vector.broadcast %squeeze3A_506 : f32 to vector<16xf32>
      %slice3A_508 = vector.extract_strided_slice %get3A_56 {offsets = [9], sizes = [1], strides = [1]} : vector<16xf32> to vector<1xf32>
      %squeeze3A_509 = vector.extract %slice3A_508[0] : f32 from vector<1xf32>
      %mul3A_510 = arith.constant 2.000000e+00 : f32
      %mul3A_511 = arith.mulf %mul3A_510, %squeeze3A_509 : f32
      %broadcast_in_dim3A_512 = vector.broadcast %mul3A_511 : f32 to vector<16xf32>
      %slice3A_513 = vector.extract_strided_slice %get3A_59 {offsets = [9], sizes = [1], strides = [1]} : vector<16xf32> to vector<1xf32>
      %squeeze3A_514 = vector.extract %slice3A_513[0] : f32 from vector<1xf32>
      %mul3A_515 = arith.constant -2.000000e+00 : f32
      %mul3A_516 = arith.mulf %mul3A_515, %squeeze3A_514 : f32
      %broadcast_in_dim3A_517 = vector.broadcast %mul3A_516 : f32 to vector<16xf32>
      %slice3A_518 = vector.extract_strided_slice %get3A_62 {offsets = [9], sizes = [1], strides = [1]} : vector<16xf32> to vector<1xf32>
      %squeeze3A_519 = vector.extract %slice3A_518[0] : f32 from vector<1xf32>
      %mul3A_520 = arith.constant -2.000000e+00 : f32
      %mul3A_521 = arith.mulf %mul3A_520, %squeeze3A_519 : f32
      %broadcast_in_dim3A_522 = vector.broadcast %mul3A_521 : f32 to vector<16xf32>
      %slice3A_523 = vector.extract_strided_slice %get3A_65 {offsets = [9], sizes = [1], strides = [1]} : vector<16xf32> to vector<1xf32>
      %squeeze3A_524 = vector.extract %slice3A_523[0] : f32 from vector<1xf32>
      %broadcast_in_dim3A_525 = vector.broadcast %squeeze3A_524 : f32 to vector<16xf32>
      %slice3A_526 = vector.extract_strided_slice %get3A_56 {offsets = [10], sizes = [1], strides = [1]} : vector<16xf32> to vector<1xf32>
      %squeeze3A_527 = vector.extract %slice3A_526[0] : f32 from vector<1xf32>
      %mul3A_528 = arith.constant 2.000000e+00 : f32
      %mul3A_529 = arith.mulf %mul3A_528, %squeeze3A_527 : f32
      %broadcast_in_dim3A_530 = vector.broadcast %mul3A_529 : f32 to vector<16xf32>
      %slice3A_531 = vector.extract_strided_slice %get3A_59 {offsets = [10], sizes = [1], strides = [1]} : vector<16xf32> to vector<1xf32>
      %squeeze3A_532 = vector.extract %slice3A_531[0] : f32 from vector<1xf32>
      %mul3A_533 = arith.constant -2.000000e+00 : f32
      %mul3A_534 = arith.mulf %mul3A_533, %squeeze3A_532 : f32
      %broadcast_in_dim3A_535 = vector.broadcast %mul3A_534 : f32 to vector<16xf32>
      %slice3A_536 = vector.extract_strided_slice %get3A_62 {offsets = [10], sizes = [1], strides = [1]} : vector<16xf32> to vector<1xf32>
      %squeeze3A_537 = vector.extract %slice3A_536[0] : f32 from vector<1xf32>
      %mul3A_538 = arith.constant -2.000000e+00 : f32
      %mul3A_539 = arith.mulf %mul3A_538, %squeeze3A_537 : f32
      %broadcast_in_dim3A_540 = vector.broadcast %mul3A_539 : f32 to vector<16xf32>
      %slice3A_541 = vector.extract_strided_slice %get3A_65 {offsets = [10], sizes = [1], strides = [1]} : vector<16xf32> to vector<1xf32>
      %squeeze3A_542 = vector.extract %slice3A_541[0] : f32 from vector<1xf32>
      %broadcast_in_dim3A_543 = vector.broadcast %squeeze3A_542 : f32 to vector<16xf32>
      %slice3A_544 = vector.extract_strided_slice %get3A_56 {offsets = [11], sizes = [1], strides = [1]} : vector<16xf32> to vector<1xf32>
      %squeeze3A_545 = vector.extract %slice3A_544[0] : f32 from vector<1xf32>
      %mul3A_546 = arith.constant 2.000000e+00 : f32
      %mul3A_547 = arith.mulf %mul3A_546, %squeeze3A_545 : f32
      %broadcast_in_dim3A_548 = vector.broadcast %mul3A_547 : f32 to vector<16xf32>
      %slice3A_549 = vector.extract_strided_slice %get3A_59 {offsets = [11], sizes = [1], strides = [1]} : vector<16xf32> to vector<1xf32>
      %squeeze3A_550 = vector.extract %slice3A_549[0] : f32 from vector<1xf32>
      %mul3A_551 = arith.constant -2.000000e+00 : f32
      %mul3A_552 = arith.mulf %mul3A_551, %squeeze3A_550 : f32
      %broadcast_in_dim3A_553 = vector.broadcast %mul3A_552 : f32 to vector<16xf32>
      %slice3A_554 = vector.extract_strided_slice %get3A_62 {offsets = [11], sizes = [1], strides = [1]} : vector<16xf32> to vector<1xf32>
      %squeeze3A_555 = vector.extract %slice3A_554[0] : f32 from vector<1xf32>
      %mul3A_556 = arith.constant -2.000000e+00 : f32
      %mul3A_557 = arith.mulf %mul3A_556, %squeeze3A_555 : f32
      %broadcast_in_dim3A_558 = vector.broadcast %mul3A_557 : f32 to vector<16xf32>
      %slice3A_559 = vector.extract_strided_slice %get3A_65 {offsets = [11], sizes = [1], strides = [1]} : vector<16xf32> to vector<1xf32>
      %squeeze3A_560 = vector.extract %slice3A_559[0] : f32 from vector<1xf32>
      %broadcast_in_dim3A_561 = vector.broadcast %squeeze3A_560 : f32 to vector<16xf32>
      %slice3A_562 = vector.extract_strided_slice %get3A_56 {offsets = [12], sizes = [1], strides = [1]} : vector<16xf32> to vector<1xf32>
      %squeeze3A_563 = vector.extract %slice3A_562[0] : f32 from vector<1xf32>
      %mul3A_564 = arith.constant 2.000000e+00 : f32
      %mul3A_565 = arith.mulf %mul3A_564, %squeeze3A_563 : f32
      %broadcast_in_dim3A_566 = vector.broadcast %mul3A_565 : f32 to vector<16xf32>
      %slice3A_567 = vector.extract_strided_slice %get3A_59 {offsets = [12], sizes = [1], strides = [1]} : vector<16xf32> to vector<1xf32>
      %squeeze3A_568 = vector.extract %slice3A_567[0] : f32 from vector<1xf32>
      %mul3A_569 = arith.constant -2.000000e+00 : f32
      %mul3A_570 = arith.mulf %mul3A_569, %squeeze3A_568 : f32
      %broadcast_in_dim3A_571 = vector.broadcast %mul3A_570 : f32 to vector<16xf32>
      %slice3A_572 = vector.extract_strided_slice %get3A_62 {offsets = [12], sizes = [1], strides = [1]} : vector<16xf32> to vector<1xf32>
      %squeeze3A_573 = vector.extract %slice3A_572[0] : f32 from vector<1xf32>
      %mul3A_574 = arith.constant -2.000000e+00 : f32
      %mul3A_575 = arith.mulf %mul3A_574, %squeeze3A_573 : f32
      %broadcast_in_dim3A_576 = vector.broadcast %mul3A_575 : f32 to vector<16xf32>
      %slice3A_577 = vector.extract_strided_slice %get3A_65 {offsets = [12], sizes = [1], strides = [1]} : vector<16xf32> to vector<1xf32>
      %squeeze3A_578 = vector.extract %slice3A_577[0] : f32 from vector<1xf32>
      %broadcast_in_dim3A_579 = vector.broadcast %squeeze3A_578 : f32 to vector<16xf32>
      %slice3A_580 = vector.extract_strided_slice %get3A_56 {offsets = [13], sizes = [1], strides = [1]} : vector<16xf32> to vector<1xf32>
      %squeeze3A_581 = vector.extract %slice3A_580[0] : f32 from vector<1xf32>
      %mul3A_582 = arith.constant 2.000000e+00 : f32
      %mul3A_583 = arith.mulf %mul3A_582, %squeeze3A_581 : f32
      %broadcast_in_dim3A_584 = vector.broadcast %mul3A_583 : f32 to vector<16xf32>
      %slice3A_585 = vector.extract_strided_slice %get3A_59 {offsets = [13], sizes = [1], strides = [1]} : vector<16xf32> to vector<1xf32>
      %squeeze3A_586 = vector.extract %slice3A_585[0] : f32 from vector<1xf32>
      %mul3A_587 = arith.constant -2.000000e+00 : f32
      %mul3A_588 = arith.mulf %mul3A_587, %squeeze3A_586 : f32
      %broadcast_in_dim3A_589 = vector.broadcast %mul3A_588 : f32 to vector<16xf32>
      %slice3A_590 = vector.extract_strided_slice %get3A_62 {offsets = [13], sizes = [1], strides = [1]} : vector<16xf32> to vector<1xf32>
      %squeeze3A_591 = vector.extract %slice3A_590[0] : f32 from vector<1xf32>
      %mul3A_592 = arith.constant -2.000000e+00 : f32
      %mul3A_593 = arith.mulf %mul3A_592, %squeeze3A_591 : f32
      %broadcast_in_dim3A_594 = vector.broadcast %mul3A_593 : f32 to vector<16xf32>
      %slice3A_595 = vector.extract_strided_slice %get3A_65 {offsets = [13], sizes = [1], strides = [1]} : vector<16xf32> to vector<1xf32>
      %squeeze3A_596 = vector.extract %slice3A_595[0] : f32 from vector<1xf32>
      %broadcast_in_dim3A_597 = vector.broadcast %squeeze3A_596 : f32 to vector<16xf32>
      %slice3A_598 = vector.extract_strided_slice %get3A_56 {offsets = [14], sizes = [1], strides = [1]} : vector<16xf32> to vector<1xf32>
      %squeeze3A_599 = vector.extract %slice3A_598[0] : f32 from vector<1xf32>
      %mul3A_600 = arith.constant 2.000000e+00 : f32
      %mul3A_601 = arith.mulf %mul3A_600, %squeeze3A_599 : f32
      %broadcast_in_dim3A_602 = vector.broadcast %mul3A_601 : f32 to vector<16xf32>
      %slice3A_603 = vector.extract_strided_slice %get3A_59 {offsets = [14], sizes = [1], strides = [1]} : vector<16xf32> to vector<1xf32>
      %squeeze3A_604 = vector.extract %slice3A_603[0] : f32 from vector<1xf32>
      %mul3A_605 = arith.constant -2.000000e+00 : f32
      %mul3A_606 = arith.mulf %mul3A_605, %squeeze3A_604 : f32
      %broadcast_in_dim3A_607 = vector.broadcast %mul3A_606 : f32 to vector<16xf32>
      %slice3A_608 = vector.extract_strided_slice %get3A_62 {offsets = [14], sizes = [1], strides = [1]} : vector<16xf32> to vector<1xf32>
      %squeeze3A_609 = vector.extract %slice3A_608[0] : f32 from vector<1xf32>
      %mul3A_610 = arith.constant -2.000000e+00 : f32
      %mul3A_611 = arith.mulf %mul3A_610, %squeeze3A_609 : f32
      %broadcast_in_dim3A_612 = vector.broadcast %mul3A_611 : f32 to vector<16xf32>
      %slice3A_613 = vector.extract_strided_slice %get3A_65 {offsets = [14], sizes = [1], strides = [1]} : vector<16xf32> to vector<1xf32>
      %squeeze3A_614 = vector.extract %slice3A_613[0] : f32 from vector<1xf32>
      %broadcast_in_dim3A_615 = vector.broadcast %squeeze3A_614 : f32 to vector<16xf32>
      %slice3A_616 = vector.extract_strided_slice %get3A_56 {offsets = [15], sizes = [1], strides = [1]} : vector<16xf32> to vector<1xf32>
      %squeeze3A_617 = vector.extract %slice3A_616[0] : f32 from vector<1xf32>
      %mul3A_618 = arith.constant 2.000000e+00 : f32
      %mul3A_619 = arith.mulf %mul3A_618, %squeeze3A_617 : f32
      %broadcast_in_dim3A_620 = vector.broadcast %mul3A_619 : f32 to vector<16xf32>
      %slice3A_621 = vector.extract_strided_slice %get3A_59 {offsets = [15], sizes = [1], strides = [1]} : vector<16xf32> to vector<1xf32>
      %squeeze3A_622 = vector.extract %slice3A_621[0] : f32 from vector<1xf32>
      %mul3A_623 = arith.constant -2.000000e+00 : f32
      %mul3A_624 = arith.mulf %mul3A_623, %squeeze3A_622 : f32
      %broadcast_in_dim3A_625 = vector.broadcast %mul3A_624 : f32 to vector<16xf32>
      %slice3A_626 = vector.extract_strided_slice %get3A_62 {offsets = [15], sizes = [1], strides = [1]} : vector<16xf32> to vector<1xf32>
      %squeeze3A_627 = vector.extract %slice3A_626[0] : f32 from vector<1xf32>
      %mul3A_628 = arith.constant -2.000000e+00 : f32
      %mul3A_629 = arith.mulf %mul3A_628, %squeeze3A_627 : f32
      %broadcast_in_dim3A_630 = vector.broadcast %mul3A_629 : f32 to vector<16xf32>
      %slice3A_631 = vector.extract_strided_slice %get3A_65 {offsets = [15], sizes = [1], strides = [1]} : vector<16xf32> to vector<1xf32>
      %squeeze3A_632 = vector.extract %slice3A_631[0] : f32 from vector<1xf32>
      %broadcast_in_dim3A_633 = vector.broadcast %squeeze3A_632 : f32 to vector<16xf32>
      %scan3A_634 = arith.constant 0 : i32
      %scan3A_635 = arith.constant 256 : i32
      %scan3A_636 = arith.addi %scan3A_634, %scan3A_635 : i32
      %scan3A_637 = arith.constant 1 : i32
      %scan3A_638:8 = scf.for %scan3A_920 = %scan3A_634 to %scan3A_636 step %scan3A_637 iter_args(%scan3A_921 = %broadcast_in_dim3A_38, %scan3A_922 = %broadcast_in_dim3A_38, %scan3A_923 = %broadcast_in_dim3A_38, %scan3A_924 = %broadcast_in_dim3A_38, %scan3A_925 = %broadcast_in_dim3A_38, %scan3A_926 = %broadcast_in_dim3A_38, %scan3A_927 = %broadcast_in_dim3A_38, %scan3A_928 = %broadcast_in_dim3A_38) -> (vector<16xf32>, vector<16xf32>, vector<16xf32>, vector<16xf32>, vector<16xf32>, vector<16xf32>, vector<16xf32>, vector<16xf32>)  : i32 {
        %mul3A_929 = arith.constant 16 : i32
        %mul3A_930 = arith.muli %scan3A_920, %mul3A_929 : i32
        %get3A_931 = arith.index_cast %mul3A_930 : i32 to index
        %get3A_932 = tpu.vector_load %arg9[%get3A_931] {strides = array<i32>} : memref<4096xf32, #tpu.memory_space<vmem>>, vector<16xf32>,
        %get3A_933 = vector.shape_cast %get3A_932 : vector<16xf32> to vector<16xf32>
        %mul3A_934 = arith.constant 16 : i32
        %mul3A_935 = arith.muli %scan3A_920, %mul3A_934 : i32
        %get3A_936 = arith.index_cast %mul3A_935 : i32 to index
        %get3A_937 = tpu.vector_load %arg10[%get3A_936] {strides = array<i32>} : memref<4096xf32, #tpu.memory_space<vmem>>, vector<16xf32>,
        %get3A_938 = vector.shape_cast %get3A_937 : vector<16xf32> to vector<16xf32>
        %mul3A_939 = arith.constant 16 : i32
        %mul3A_940 = arith.muli %scan3A_920, %mul3A_939 : i32
        %get3A_941 = arith.index_cast %mul3A_940 : i32 to index
        %get3A_942 = tpu.vector_load %arg11[%get3A_941] {strides = array<i32>} : memref<4096xf32, #tpu.memory_space<vmem>>, vector<16xf32>,
        %get3A_943 = vector.shape_cast %get3A_942 : vector<16xf32> to vector<16xf32>
        %mul3A_944 = arith.constant 16 : i32
        %mul3A_945 = arith.muli %scan3A_920, %mul3A_944 : i32
        %get3A_946 = arith.index_cast %mul3A_945 : i32 to index
        %get3A_947 = tpu.vector_load %arg12[%get3A_946] {strides = array<i32>} : memref<4096xf32, #tpu.memory_space<vmem>>, vector<16xf32>,
        %get3A_948 = vector.shape_cast %get3A_947 : vector<16xf32> to vector<16xf32>
        %mul3A_949 = arith.mulf %broadcast_in_dim3A_494, %get3A_933 : vector<16xf32>
        %mul3A_950 = arith.mulf %broadcast_in_dim3A_499, %get3A_938 : vector<16xf32>
        %add3A_951 = arith.addf %mul3A_949, %mul3A_950 : vector<16xf32>
        %mul3A_952 = arith.mulf %broadcast_in_dim3A_504, %get3A_943 : vector<16xf32>
        %add3A_953 = arith.addf %add3A_951, %mul3A_952 : vector<16xf32>
        %add3A_954 = arith.addf %get3A_948, %broadcast_in_dim3A_507 : vector<16xf32>
        %add3A_955 = arith.addf %add3A_954, %add3A_953 : vector<16xf32>
        %min3A_956 = arith.minimumf %scan3A_921, %add3A_955 : vector<16xf32>
        %mul3A_957 = arith.mulf %broadcast_in_dim3A_512, %get3A_933 : vector<16xf32>
        %mul3A_958 = arith.mulf %broadcast_in_dim3A_517, %get3A_938 : vector<16xf32>
        %add3A_959 = arith.addf %mul3A_957, %mul3A_958 : vector<16xf32>
        %mul3A_960 = arith.mulf %broadcast_in_dim3A_522, %get3A_943 : vector<16xf32>
        %add3A_961 = arith.addf %add3A_959, %mul3A_960 : vector<16xf32>
        %add3A_962 = arith.addf %get3A_948, %broadcast_in_dim3A_525 : vector<16xf32>
        %add3A_963 = arith.addf %add3A_962, %add3A_961 : vector<16xf32>
        %min3A_964 = arith.minimumf %scan3A_922, %add3A_963 : vector<16xf32>
        %mul3A_965 = arith.mulf %broadcast_in_dim3A_530, %get3A_933 : vector<16xf32>
        %mul3A_966 = arith.mulf %broadcast_in_dim3A_535, %get3A_938 : vector<16xf32>
        %add3A_967 = arith.addf %mul3A_965, %mul3A_966 : vector<16xf32>
        %mul3A_968 = arith.mulf %broadcast_in_dim3A_540, %get3A_943 : vector<16xf32>
        %add3A_969 = arith.addf %add3A_967, %mul3A_968 : vector<16xf32>
        %add3A_970 = arith.addf %get3A_948, %broadcast_in_dim3A_543 : vector<16xf32>
        %add3A_971 = arith.addf %add3A_970, %add3A_969 : vector<16xf32>
        %min3A_972 = arith.minimumf %scan3A_923, %add3A_971 : vector<16xf32>
        %mul3A_973 = arith.mulf %broadcast_in_dim3A_548, %get3A_933 : vector<16xf32>
        %mul3A_974 = arith.mulf %broadcast_in_dim3A_553, %get3A_938 : vector<16xf32>
        %add3A_975 = arith.addf %mul3A_973, %mul3A_974 : vector<16xf32>
        %mul3A_976 = arith.mulf %broadcast_in_dim3A_558, %get3A_943 : vector<16xf32>
        %add3A_977 = arith.addf %add3A_975, %mul3A_976 : vector<16xf32>
        %add3A_978 = arith.addf %get3A_948, %broadcast_in_dim3A_561 : vector<16xf32>
        %add3A_979 = arith.addf %add3A_978, %add3A_977 : vector<16xf32>
        %min3A_980 = arith.minimumf %scan3A_924, %add3A_979 : vector<16xf32>
        %mul3A_981 = arith.mulf %broadcast_in_dim3A_566, %get3A_933 : vector<16xf32>
        %mul3A_982 = arith.mulf %broadcast_in_dim3A_571, %get3A_938 : vector<16xf32>
        %add3A_983 = arith.addf %mul3A_981, %mul3A_982 : vector<16xf32>
        %mul3A_984 = arith.mulf %broadcast_in_dim3A_576, %get3A_943 : vector<16xf32>
        %add3A_985 = arith.addf %add3A_983, %mul3A_984 : vector<16xf32>
        %add3A_986 = arith.addf %get3A_948, %broadcast_in_dim3A_579 : vector<16xf32>
        %add3A_987 = arith.addf %add3A_986, %add3A_985 : vector<16xf32>
        %min3A_988 = arith.minimumf %scan3A_925, %add3A_987 : vector<16xf32>
        %mul3A_989 = arith.mulf %broadcast_in_dim3A_584, %get3A_933 : vector<16xf32>
        %mul3A_990 = arith.mulf %broadcast_in_dim3A_589, %get3A_938 : vector<16xf32>
        %add3A_991 = arith.addf %mul3A_989, %mul3A_990 : vector<16xf32>
        %mul3A_992 = arith.mulf %broadcast_in_dim3A_594, %get3A_943 : vector<16xf32>
        %add3A_993 = arith.addf %add3A_991, %mul3A_992 : vector<16xf32>
        %add3A_994 = arith.addf %get3A_948, %broadcast_in_dim3A_597 : vector<16xf32>
        %add3A_995 = arith.addf %add3A_994, %add3A_993 : vector<16xf32>
        %min3A_996 = arith.minimumf %scan3A_926, %add3A_995 : vector<16xf32>
        %mul3A_997 = arith.mulf %broadcast_in_dim3A_602, %get3A_933 : vector<16xf32>
        %mul3A_998 = arith.mulf %broadcast_in_dim3A_607, %get3A_938 : vector<16xf32>
        %add3A_999 = arith.addf %mul3A_997, %mul3A_998 : vector<16xf32>
        %mul3A_1000 = arith.mulf %broadcast_in_dim3A_612, %get3A_943 : vector<16xf32>
        %add3A_1001 = arith.addf %add3A_999, %mul3A_1000 : vector<16xf32>
        %add3A_1002 = arith.addf %get3A_948, %broadcast_in_dim3A_615 : vector<16xf32>
        %add3A_1003 = arith.addf %add3A_1002, %add3A_1001 : vector<16xf32>
        %min3A_1004 = arith.minimumf %scan3A_927, %add3A_1003 : vector<16xf32>
        %mul3A_1005 = arith.mulf %broadcast_in_dim3A_620, %get3A_933 : vector<16xf32>
        %mul3A_1006 = arith.mulf %broadcast_in_dim3A_625, %get3A_938 : vector<16xf32>
        %add3A_1007 = arith.addf %mul3A_1005, %mul3A_1006 : vector<16xf32>
        %mul3A_1008 = arith.mulf %broadcast_in_dim3A_630, %get3A_943 : vector<16xf32>
        %add3A_1009 = arith.addf %add3A_1007, %mul3A_1008 : vector<16xf32>
        %add3A_1010 = arith.addf %get3A_948, %broadcast_in_dim3A_633 : vector<16xf32>
        %add3A_1011 = arith.addf %add3A_1010, %add3A_1009 : vector<16xf32>
        %min3A_1012 = arith.minimumf %scan3A_928, %add3A_1011 : vector<16xf32>
        scf.yield %min3A_956, %min3A_964, %min3A_972, %min3A_980, %min3A_988, %min3A_996, %min3A_1004, %min3A_1012 : vector<16xf32>, vector<16xf32>, vector<16xf32>, vector<16xf32>, vector<16xf32>, vector<16xf32>, vector<16xf32>, vector<16xf32>
      }
      %scan3A_639 = arith.constant 256 : i32
      %iota3A_640 = tpu.iota {dimensions = array<i32: 0>} : vector<16xi32>
      %xor3A_641 = arith.constant 8 : i32
      %xor3A_642 = vector.broadcast %xor3A_641 : i32 to vector<16xi32>
      %xor3A_643 = arith.xori %iota3A_640, %xor3A_642 : vector<16xi32>
      %broadcast_in_dim3A_644 = vector.shape_cast %xor3A_643 : vector<16xi32> to vector<16x1xi32>
      %gather3A_645 = vector.shape_cast %broadcast_in_dim3A_644 : vector<16x1xi32> to vector<16xi32>
      %gather3A_646 = tpu.dynamic_gather %scan3A_638#0[%gather3A_645] in [0] : vector<16xf32>, vector<16xi32> -> vector<16xf32>
      %min3A_647 = arith.minimumf %scan3A_638#0, %gather3A_646 : vector<16xf32>
      %iota3A_648 = tpu.iota {dimensions = array<i32: 0>} : vector<16xi32>
      %xor3A_649 = arith.constant 4 : i32
      %xor3A_650 = vector.broadcast %xor3A_649 : i32 to vector<16xi32>
      %xor3A_651 = arith.xori %iota3A_648, %xor3A_650 : vector<16xi32>
      %broadcast_in_dim3A_652 = vector.shape_cast %xor3A_651 : vector<16xi32> to vector<16x1xi32>
      %gather3A_653 = vector.shape_cast %broadcast_in_dim3A_652 : vector<16x1xi32> to vector<16xi32>
      %gather3A_654 = tpu.dynamic_gather %min3A_647[%gather3A_653] in [0] : vector<16xf32>, vector<16xi32> -> vector<16xf32>
      %min3A_655 = arith.minimumf %min3A_647, %gather3A_654 : vector<16xf32>
      %iota3A_656 = tpu.iota {dimensions = array<i32: 0>} : vector<16xi32>
      %xor3A_657 = arith.constant 2 : i32
      %xor3A_658 = vector.broadcast %xor3A_657 : i32 to vector<16xi32>
      %xor3A_659 = arith.xori %iota3A_656, %xor3A_658 : vector<16xi32>
      %broadcast_in_dim3A_660 = vector.shape_cast %xor3A_659 : vector<16xi32> to vector<16x1xi32>
      %gather3A_661 = vector.shape_cast %broadcast_in_dim3A_660 : vector<16x1xi32> to vector<16xi32>
      %gather3A_662 = tpu.dynamic_gather %min3A_655[%gather3A_661] in [0] : vector<16xf32>, vector<16xi32> -> vector<16xf32>
      %min3A_663 = arith.minimumf %min3A_655, %gather3A_662 : vector<16xf32>
      %iota3A_664 = tpu.iota {dimensions = array<i32: 0>} : vector<16xi32>
      %xor3A_665 = arith.constant 1 : i32
      %xor3A_666 = vector.broadcast %xor3A_665 : i32 to vector<16xi32>
      %xor3A_667 = arith.xori %iota3A_664, %xor3A_666 : vector<16xi32>
      %broadcast_in_dim3A_668 = vector.shape_cast %xor3A_667 : vector<16xi32> to vector<16x1xi32>
      %gather3A_669 = vector.shape_cast %broadcast_in_dim3A_668 : vector<16x1xi32> to vector<16xi32>
      %gather3A_670 = tpu.dynamic_gather %min3A_663[%gather3A_669] in [0] : vector<16xf32>, vector<16xi32> -> vector<16xf32>
      %min3A_671 = arith.minimumf %min3A_663, %gather3A_670 : vector<16xf32>
      %slice3A_672 = vector.extract_strided_slice %min3A_671 {offsets = [0], sizes = [1], strides = [1]} : vector<16xf32> to vector<1xf32>
      %squeeze3A_673 = vector.extract %slice3A_672[0] : f32 from vector<1xf32>
      %add3A_674 = arith.addf %add3A_489, %squeeze3A_673 : f32
      %iota3A_675 = tpu.iota {dimensions = array<i32: 0>} : vector<16xi32>
      %xor3A_676 = arith.constant 8 : i32
      %xor3A_677 = vector.broadcast %xor3A_676 : i32 to vector<16xi32>
      %xor3A_678 = arith.xori %iota3A_675, %xor3A_677 : vector<16xi32>
      %broadcast_in_dim3A_679 = vector.shape_cast %xor3A_678 : vector<16xi32> to vector<16x1xi32>
      %gather3A_680 = vector.shape_cast %broadcast_in_dim3A_679 : vector<16x1xi32> to vector<16xi32>
      %gather3A_681 = tpu.dynamic_gather %scan3A_638#1[%gather3A_680] in [0] : vector<16xf32>, vector<16xi32> -> vector<16xf32>
      %min3A_682 = arith.minimumf %scan3A_638#1, %gather3A_681 : vector<16xf32>
      %iota3A_683 = tpu.iota {dimensions = array<i32: 0>} : vector<16xi32>
      %xor3A_684 = arith.constant 4 : i32
      %xor3A_685 = vector.broadcast %xor3A_684 : i32 to vector<16xi32>
      %xor3A_686 = arith.xori %iota3A_683, %xor3A_685 : vector<16xi32>
      %broadcast_in_dim3A_687 = vector.shape_cast %xor3A_686 : vector<16xi32> to vector<16x1xi32>
      %gather3A_688 = vector.shape_cast %broadcast_in_dim3A_687 : vector<16x1xi32> to vector<16xi32>
      %gather3A_689 = tpu.dynamic_gather %min3A_682[%gather3A_688] in [0] : vector<16xf32>, vector<16xi32> -> vector<16xf32>
      %min3A_690 = arith.minimumf %min3A_682, %gather3A_689 : vector<16xf32>
      %iota3A_691 = tpu.iota {dimensions = array<i32: 0>} : vector<16xi32>
      %xor3A_692 = arith.constant 2 : i32
      %xor3A_693 = vector.broadcast %xor3A_692 : i32 to vector<16xi32>
      %xor3A_694 = arith.xori %iota3A_691, %xor3A_693 : vector<16xi32>
      %broadcast_in_dim3A_695 = vector.shape_cast %xor3A_694 : vector<16xi32> to vector<16x1xi32>
      %gather3A_696 = vector.shape_cast %broadcast_in_dim3A_695 : vector<16x1xi32> to vector<16xi32>
      %gather3A_697 = tpu.dynamic_gather %min3A_690[%gather3A_696] in [0] : vector<16xf32>, vector<16xi32> -> vector<16xf32>
      %min3A_698 = arith.minimumf %min3A_690, %gather3A_697 : vector<16xf32>
      %iota3A_699 = tpu.iota {dimensions = array<i32: 0>} : vector<16xi32>
      %xor3A_700 = arith.constant 1 : i32
      %xor3A_701 = vector.broadcast %xor3A_700 : i32 to vector<16xi32>
      %xor3A_702 = arith.xori %iota3A_699, %xor3A_701 : vector<16xi32>
      %broadcast_in_dim3A_703 = vector.shape_cast %xor3A_702 : vector<16xi32> to vector<16x1xi32>
      %gather3A_704 = vector.shape_cast %broadcast_in_dim3A_703 : vector<16x1xi32> to vector<16xi32>
      %gather3A_705 = tpu.dynamic_gather %min3A_698[%gather3A_704] in [0] : vector<16xf32>, vector<16xi32> -> vector<16xf32>
      %min3A_706 = arith.minimumf %min3A_698, %gather3A_705 : vector<16xf32>
      %slice3A_707 = vector.extract_strided_slice %min3A_706 {offsets = [0], sizes = [1], strides = [1]} : vector<16xf32> to vector<1xf32>
      %squeeze3A_708 = vector.extract %slice3A_707[0] : f32 from vector<1xf32>
      %add3A_709 = arith.addf %add3A_674, %squeeze3A_708 : f32
      %iota3A_710 = tpu.iota {dimensions = array<i32: 0>} : vector<16xi32>
      %xor3A_711 = arith.constant 8 : i32
      %xor3A_712 = vector.broadcast %xor3A_711 : i32 to vector<16xi32>
      %xor3A_713 = arith.xori %iota3A_710, %xor3A_712 : vector<16xi32>
      %broadcast_in_dim3A_714 = vector.shape_cast %xor3A_713 : vector<16xi32> to vector<16x1xi32>
      %gather3A_715 = vector.shape_cast %broadcast_in_dim3A_714 : vector<16x1xi32> to vector<16xi32>
      %gather3A_716 = tpu.dynamic_gather %scan3A_638#2[%gather3A_715] in [0] : vector<16xf32>, vector<16xi32> -> vector<16xf32>
      %min3A_717 = arith.minimumf %scan3A_638#2, %gather3A_716 : vector<16xf32>
      %iota3A_718 = tpu.iota {dimensions = array<i32: 0>} : vector<16xi32>
      %xor3A_719 = arith.constant 4 : i32
      %xor3A_720 = vector.broadcast %xor3A_719 : i32 to vector<16xi32>
      %xor3A_721 = arith.xori %iota3A_718, %xor3A_720 : vector<16xi32>
      %broadcast_in_dim3A_722 = vector.shape_cast %xor3A_721 : vector<16xi32> to vector<16x1xi32>
      %gather3A_723 = vector.shape_cast %broadcast_in_dim3A_722 : vector<16x1xi32> to vector<16xi32>
      %gather3A_724 = tpu.dynamic_gather %min3A_717[%gather3A_723] in [0] : vector<16xf32>, vector<16xi32> -> vector<16xf32>
      %min3A_725 = arith.minimumf %min3A_717, %gather3A_724 : vector<16xf32>
      %iota3A_726 = tpu.iota {dimensions = array<i32: 0>} : vector<16xi32>
      %xor3A_727 = arith.constant 2 : i32
      %xor3A_728 = vector.broadcast %xor3A_727 : i32 to vector<16xi32>
      %xor3A_729 = arith.xori %iota3A_726, %xor3A_728 : vector<16xi32>
      %broadcast_in_dim3A_730 = vector.shape_cast %xor3A_729 : vector<16xi32> to vector<16x1xi32>
      %gather3A_731 = vector.shape_cast %broadcast_in_dim3A_730 : vector<16x1xi32> to vector<16xi32>
      %gather3A_732 = tpu.dynamic_gather %min3A_725[%gather3A_731] in [0] : vector<16xf32>, vector<16xi32> -> vector<16xf32>
      %min3A_733 = arith.minimumf %min3A_725, %gather3A_732 : vector<16xf32>
      %iota3A_734 = tpu.iota {dimensions = array<i32: 0>} : vector<16xi32>
      %xor3A_735 = arith.constant 1 : i32
      %xor3A_736 = vector.broadcast %xor3A_735 : i32 to vector<16xi32>
      %xor3A_737 = arith.xori %iota3A_734, %xor3A_736 : vector<16xi32>
      %broadcast_in_dim3A_738 = vector.shape_cast %xor3A_737 : vector<16xi32> to vector<16x1xi32>
      %gather3A_739 = vector.shape_cast %broadcast_in_dim3A_738 : vector<16x1xi32> to vector<16xi32>
      %gather3A_740 = tpu.dynamic_gather %min3A_733[%gather3A_739] in [0] : vector<16xf32>, vector<16xi32> -> vector<16xf32>
      %min3A_741 = arith.minimumf %min3A_733, %gather3A_740 : vector<16xf32>
      %slice3A_742 = vector.extract_strided_slice %min3A_741 {offsets = [0], sizes = [1], strides = [1]} : vector<16xf32> to vector<1xf32>
      %squeeze3A_743 = vector.extract %slice3A_742[0] : f32 from vector<1xf32>
      %add3A_744 = arith.addf %add3A_709, %squeeze3A_743 : f32
      %iota3A_745 = tpu.iota {dimensions = array<i32: 0>} : vector<16xi32>
      %xor3A_746 = arith.constant 8 : i32
      %xor3A_747 = vector.broadcast %xor3A_746 : i32 to vector<16xi32>
      %xor3A_748 = arith.xori %iota3A_745, %xor3A_747 : vector<16xi32>
      %broadcast_in_dim3A_749 = vector.shape_cast %xor3A_748 : vector<16xi32> to vector<16x1xi32>
      %gather3A_750 = vector.shape_cast %broadcast_in_dim3A_749 : vector<16x1xi32> to vector<16xi32>
      %gather3A_751 = tpu.dynamic_gather %scan3A_638#3[%gather3A_750] in [0] : vector<16xf32>, vector<16xi32> -> vector<16xf32>
      %min3A_752 = arith.minimumf %scan3A_638#3, %gather3A_751 : vector<16xf32>
      %iota3A_753 = tpu.iota {dimensions = array<i32: 0>} : vector<16xi32>
      %xor3A_754 = arith.constant 4 : i32
      %xor3A_755 = vector.broadcast %xor3A_754 : i32 to vector<16xi32>
      %xor3A_756 = arith.xori %iota3A_753, %xor3A_755 : vector<16xi32>
      %broadcast_in_dim3A_757 = vector.shape_cast %xor3A_756 : vector<16xi32> to vector<16x1xi32>
      %gather3A_758 = vector.shape_cast %broadcast_in_dim3A_757 : vector<16x1xi32> to vector<16xi32>
      %gather3A_759 = tpu.dynamic_gather %min3A_752[%gather3A_758] in [0] : vector<16xf32>, vector<16xi32> -> vector<16xf32>
      %min3A_760 = arith.minimumf %min3A_752, %gather3A_759 : vector<16xf32>
      %iota3A_761 = tpu.iota {dimensions = array<i32: 0>} : vector<16xi32>
      %xor3A_762 = arith.constant 2 : i32
      %xor3A_763 = vector.broadcast %xor3A_762 : i32 to vector<16xi32>
      %xor3A_764 = arith.xori %iota3A_761, %xor3A_763 : vector<16xi32>
      %broadcast_in_dim3A_765 = vector.shape_cast %xor3A_764 : vector<16xi32> to vector<16x1xi32>
      %gather3A_766 = vector.shape_cast %broadcast_in_dim3A_765 : vector<16x1xi32> to vector<16xi32>
      %gather3A_767 = tpu.dynamic_gather %min3A_760[%gather3A_766] in [0] : vector<16xf32>, vector<16xi32> -> vector<16xf32>
      %min3A_768 = arith.minimumf %min3A_760, %gather3A_767 : vector<16xf32>
      %iota3A_769 = tpu.iota {dimensions = array<i32: 0>} : vector<16xi32>
      %xor3A_770 = arith.constant 1 : i32
      %xor3A_771 = vector.broadcast %xor3A_770 : i32 to vector<16xi32>
      %xor3A_772 = arith.xori %iota3A_769, %xor3A_771 : vector<16xi32>
      %broadcast_in_dim3A_773 = vector.shape_cast %xor3A_772 : vector<16xi32> to vector<16x1xi32>
      %gather3A_774 = vector.shape_cast %broadcast_in_dim3A_773 : vector<16x1xi32> to vector<16xi32>
      %gather3A_775 = tpu.dynamic_gather %min3A_768[%gather3A_774] in [0] : vector<16xf32>, vector<16xi32> -> vector<16xf32>
      %min3A_776 = arith.minimumf %min3A_768, %gather3A_775 : vector<16xf32>
      %slice3A_777 = vector.extract_strided_slice %min3A_776 {offsets = [0], sizes = [1], strides = [1]} : vector<16xf32> to vector<1xf32>
      %squeeze3A_778 = vector.extract %slice3A_777[0] : f32 from vector<1xf32>
      %add3A_779 = arith.addf %add3A_744, %squeeze3A_778 : f32
      %iota3A_780 = tpu.iota {dimensions = array<i32: 0>} : vector<16xi32>
      %xor3A_781 = arith.constant 8 : i32
      %xor3A_782 = vector.broadcast %xor3A_781 : i32 to vector<16xi32>
      %xor3A_783 = arith.xori %iota3A_780, %xor3A_782 : vector<16xi32>
      %broadcast_in_dim3A_784 = vector.shape_cast %xor3A_783 : vector<16xi32> to vector<16x1xi32>
      %gather3A_785 = vector.shape_cast %broadcast_in_dim3A_784 : vector<16x1xi32> to vector<16xi32>
      %gather3A_786 = tpu.dynamic_gather %scan3A_638#4[%gather3A_785] in [0] : vector<16xf32>, vector<16xi32> -> vector<16xf32>
      %min3A_787 = arith.minimumf %scan3A_638#4, %gather3A_786 : vector<16xf32>
      %iota3A_788 = tpu.iota {dimensions = array<i32: 0>} : vector<16xi32>
      %xor3A_789 = arith.constant 4 : i32
      %xor3A_790 = vector.broadcast %xor3A_789 : i32 to vector<16xi32>
      %xor3A_791 = arith.xori %iota3A_788, %xor3A_790 : vector<16xi32>
      %broadcast_in_dim3A_792 = vector.shape_cast %xor3A_791 : vector<16xi32> to vector<16x1xi32>
      %gather3A_793 = vector.shape_cast %broadcast_in_dim3A_792 : vector<16x1xi32> to vector<16xi32>
      %gather3A_794 = tpu.dynamic_gather %min3A_787[%gather3A_793] in [0] : vector<16xf32>, vector<16xi32> -> vector<16xf32>
      %min3A_795 = arith.minimumf %min3A_787, %gather3A_794 : vector<16xf32>
      %iota3A_796 = tpu.iota {dimensions = array<i32: 0>} : vector<16xi32>
      %xor3A_797 = arith.constant 2 : i32
      %xor3A_798 = vector.broadcast %xor3A_797 : i32 to vector<16xi32>
      %xor3A_799 = arith.xori %iota3A_796, %xor3A_798 : vector<16xi32>
      %broadcast_in_dim3A_800 = vector.shape_cast %xor3A_799 : vector<16xi32> to vector<16x1xi32>
      %gather3A_801 = vector.shape_cast %broadcast_in_dim3A_800 : vector<16x1xi32> to vector<16xi32>
      %gather3A_802 = tpu.dynamic_gather %min3A_795[%gather3A_801] in [0] : vector<16xf32>, vector<16xi32> -> vector<16xf32>
      %min3A_803 = arith.minimumf %min3A_795, %gather3A_802 : vector<16xf32>
      %iota3A_804 = tpu.iota {dimensions = array<i32: 0>} : vector<16xi32>
      %xor3A_805 = arith.constant 1 : i32
      %xor3A_806 = vector.broadcast %xor3A_805 : i32 to vector<16xi32>
      %xor3A_807 = arith.xori %iota3A_804, %xor3A_806 : vector<16xi32>
      %broadcast_in_dim3A_808 = vector.shape_cast %xor3A_807 : vector<16xi32> to vector<16x1xi32>
      %gather3A_809 = vector.shape_cast %broadcast_in_dim3A_808 : vector<16x1xi32> to vector<16xi32>
      %gather3A_810 = tpu.dynamic_gather %min3A_803[%gather3A_809] in [0] : vector<16xf32>, vector<16xi32> -> vector<16xf32>
      %min3A_811 = arith.minimumf %min3A_803, %gather3A_810 : vector<16xf32>
      %slice3A_812 = vector.extract_strided_slice %min3A_811 {offsets = [0], sizes = [1], strides = [1]} : vector<16xf32> to vector<1xf32>
      %squeeze3A_813 = vector.extract %slice3A_812[0] : f32 from vector<1xf32>
      %add3A_814 = arith.addf %add3A_779, %squeeze3A_813 : f32
      %iota3A_815 = tpu.iota {dimensions = array<i32: 0>} : vector<16xi32>
      %xor3A_816 = arith.constant 8 : i32
      %xor3A_817 = vector.broadcast %xor3A_816 : i32 to vector<16xi32>
      %xor3A_818 = arith.xori %iota3A_815, %xor3A_817 : vector<16xi32>
      %broadcast_in_dim3A_819 = vector.shape_cast %xor3A_818 : vector<16xi32> to vector<16x1xi32>
      %gather3A_820 = vector.shape_cast %broadcast_in_dim3A_819 : vector<16x1xi32> to vector<16xi32>
      %gather3A_821 = tpu.dynamic_gather %scan3A_638#5[%gather3A_820] in [0] : vector<16xf32>, vector<16xi32> -> vector<16xf32>
      %min3A_822 = arith.minimumf %scan3A_638#5, %gather3A_821 : vector<16xf32>
      %iota3A_823 = tpu.iota {dimensions = array<i32: 0>} : vector<16xi32>
      %xor3A_824 = arith.constant 4 : i32
      %xor3A_825 = vector.broadcast %xor3A_824 : i32 to vector<16xi32>
      %xor3A_826 = arith.xori %iota3A_823, %xor3A_825 : vector<16xi32>
      %broadcast_in_dim3A_827 = vector.shape_cast %xor3A_826 : vector<16xi32> to vector<16x1xi32>
      %gather3A_828 = vector.shape_cast %broadcast_in_dim3A_827 : vector<16x1xi32> to vector<16xi32>
      %gather3A_829 = tpu.dynamic_gather %min3A_822[%gather3A_828] in [0] : vector<16xf32>, vector<16xi32> -> vector<16xf32>
      %min3A_830 = arith.minimumf %min3A_822, %gather3A_829 : vector<16xf32>
      %iota3A_831 = tpu.iota {dimensions = array<i32: 0>} : vector<16xi32>
      %xor3A_832 = arith.constant 2 : i32
      %xor3A_833 = vector.broadcast %xor3A_832 : i32 to vector<16xi32>
      %xor3A_834 = arith.xori %iota3A_831, %xor3A_833 : vector<16xi32>
      %broadcast_in_dim3A_835 = vector.shape_cast %xor3A_834 : vector<16xi32> to vector<16x1xi32>
      %gather3A_836 = vector.shape_cast %broadcast_in_dim3A_835 : vector<16x1xi32> to vector<16xi32>
      %gather3A_837 = tpu.dynamic_gather %min3A_830[%gather3A_836] in [0] : vector<16xf32>, vector<16xi32> -> vector<16xf32>
      %min3A_838 = arith.minimumf %min3A_830, %gather3A_837 : vector<16xf32>
      %iota3A_839 = tpu.iota {dimensions = array<i32: 0>} : vector<16xi32>
      %xor3A_840 = arith.constant 1 : i32
      %xor3A_841 = vector.broadcast %xor3A_840 : i32 to vector<16xi32>
      %xor3A_842 = arith.xori %iota3A_839, %xor3A_841 : vector<16xi32>
      %broadcast_in_dim3A_843 = vector.shape_cast %xor3A_842 : vector<16xi32> to vector<16x1xi32>
      %gather3A_844 = vector.shape_cast %broadcast_in_dim3A_843 : vector<16x1xi32> to vector<16xi32>
      %gather3A_845 = tpu.dynamic_gather %min3A_838[%gather3A_844] in [0] : vector<16xf32>, vector<16xi32> -> vector<16xf32>
      %min3A_846 = arith.minimumf %min3A_838, %gather3A_845 : vector<16xf32>
      %slice3A_847 = vector.extract_strided_slice %min3A_846 {offsets = [0], sizes = [1], strides = [1]} : vector<16xf32> to vector<1xf32>
      %squeeze3A_848 = vector.extract %slice3A_847[0] : f32 from vector<1xf32>
      %add3A_849 = arith.addf %add3A_814, %squeeze3A_848 : f32
      %iota3A_850 = tpu.iota {dimensions = array<i32: 0>} : vector<16xi32>
      %xor3A_851 = arith.constant 8 : i32
      %xor3A_852 = vector.broadcast %xor3A_851 : i32 to vector<16xi32>
      %xor3A_853 = arith.xori %iota3A_850, %xor3A_852 : vector<16xi32>
      %broadcast_in_dim3A_854 = vector.shape_cast %xor3A_853 : vector<16xi32> to vector<16x1xi32>
      %gather3A_855 = vector.shape_cast %broadcast_in_dim3A_854 : vector<16x1xi32> to vector<16xi32>
      %gather3A_856 = tpu.dynamic_gather %scan3A_638#6[%gather3A_855] in [0] : vector<16xf32>, vector<16xi32> -> vector<16xf32>
      %min3A_857 = arith.minimumf %scan3A_638#6, %gather3A_856 : vector<16xf32>
      %iota3A_858 = tpu.iota {dimensions = array<i32: 0>} : vector<16xi32>
      %xor3A_859 = arith.constant 4 : i32
      %xor3A_860 = vector.broadcast %xor3A_859 : i32 to vector<16xi32>
      %xor3A_861 = arith.xori %iota3A_858, %xor3A_860 : vector<16xi32>
      %broadcast_in_dim3A_862 = vector.shape_cast %xor3A_861 : vector<16xi32> to vector<16x1xi32>
      %gather3A_863 = vector.shape_cast %broadcast_in_dim3A_862 : vector<16x1xi32> to vector<16xi32>
      %gather3A_864 = tpu.dynamic_gather %min3A_857[%gather3A_863] in [0] : vector<16xf32>, vector<16xi32> -> vector<16xf32>
      %min3A_865 = arith.minimumf %min3A_857, %gather3A_864 : vector<16xf32>
      %iota3A_866 = tpu.iota {dimensions = array<i32: 0>} : vector<16xi32>
      %xor3A_867 = arith.constant 2 : i32
      %xor3A_868 = vector.broadcast %xor3A_867 : i32 to vector<16xi32>
      %xor3A_869 = arith.xori %iota3A_866, %xor3A_868 : vector<16xi32>
      %broadcast_in_dim3A_870 = vector.shape_cast %xor3A_869 : vector<16xi32> to vector<16x1xi32>
      %gather3A_871 = vector.shape_cast %broadcast_in_dim3A_870 : vector<16x1xi32> to vector<16xi32>
      %gather3A_872 = tpu.dynamic_gather %min3A_865[%gather3A_871] in [0] : vector<16xf32>, vector<16xi32> -> vector<16xf32>
      %min3A_873 = arith.minimumf %min3A_865, %gather3A_872 : vector<16xf32>
      %iota3A_874 = tpu.iota {dimensions = array<i32: 0>} : vector<16xi32>
      %xor3A_875 = arith.constant 1 : i32
      %xor3A_876 = vector.broadcast %xor3A_875 : i32 to vector<16xi32>
      %xor3A_877 = arith.xori %iota3A_874, %xor3A_876 : vector<16xi32>
      %broadcast_in_dim3A_878 = vector.shape_cast %xor3A_877 : vector<16xi32> to vector<16x1xi32>
      %gather3A_879 = vector.shape_cast %broadcast_in_dim3A_878 : vector<16x1xi32> to vector<16xi32>
      %gather3A_880 = tpu.dynamic_gather %min3A_873[%gather3A_879] in [0] : vector<16xf32>, vector<16xi32> -> vector<16xf32>
      %min3A_881 = arith.minimumf %min3A_873, %gather3A_880 : vector<16xf32>
      %slice3A_882 = vector.extract_strided_slice %min3A_881 {offsets = [0], sizes = [1], strides = [1]} : vector<16xf32> to vector<1xf32>
      %squeeze3A_883 = vector.extract %slice3A_882[0] : f32 from vector<1xf32>
      %add3A_884 = arith.addf %add3A_849, %squeeze3A_883 : f32
      %iota3A_885 = tpu.iota {dimensions = array<i32: 0>} : vector<16xi32>
      %xor3A_886 = arith.constant 8 : i32
      %xor3A_887 = vector.broadcast %xor3A_886 : i32 to vector<16xi32>
      %xor3A_888 = arith.xori %iota3A_885, %xor3A_887 : vector<16xi32>
      %broadcast_in_dim3A_889 = vector.shape_cast %xor3A_888 : vector<16xi32> to vector<16x1xi32>
      %gather3A_890 = vector.shape_cast %broadcast_in_dim3A_889 : vector<16x1xi32> to vector<16xi32>
      %gather3A_891 = tpu.dynamic_gather %scan3A_638#7[%gather3A_890] in [0] : vector<16xf32>, vector<16xi32> -> vector<16xf32>
      %min3A_892 = arith.minimumf %scan3A_638#7, %gather3A_891 : vector<16xf32>
      %iota3A_893 = tpu.iota {dimensions = array<i32: 0>} : vector<16xi32>
      %xor3A_894 = arith.constant 4 : i32
      %xor3A_895 = vector.broadcast %xor3A_894 : i32 to vector<16xi32>
      %xor3A_896 = arith.xori %iota3A_893, %xor3A_895 : vector<16xi32>
      %broadcast_in_dim3A_897 = vector.shape_cast %xor3A_896 : vector<16xi32> to vector<16x1xi32>
      %gather3A_898 = vector.shape_cast %broadcast_in_dim3A_897 : vector<16x1xi32> to vector<16xi32>
      %gather3A_899 = tpu.dynamic_gather %min3A_892[%gather3A_898] in [0] : vector<16xf32>, vector<16xi32> -> vector<16xf32>
      %min3A_900 = arith.minimumf %min3A_892, %gather3A_899 : vector<16xf32>
      %iota3A_901 = tpu.iota {dimensions = array<i32: 0>} : vector<16xi32>
      %xor3A_902 = arith.constant 2 : i32
      %xor3A_903 = vector.broadcast %xor3A_902 : i32 to vector<16xi32>
      %xor3A_904 = arith.xori %iota3A_901, %xor3A_903 : vector<16xi32>
      %broadcast_in_dim3A_905 = vector.shape_cast %xor3A_904 : vector<16xi32> to vector<16x1xi32>
      %gather3A_906 = vector.shape_cast %broadcast_in_dim3A_905 : vector<16x1xi32> to vector<16xi32>
      %gather3A_907 = tpu.dynamic_gather %min3A_900[%gather3A_906] in [0] : vector<16xf32>, vector<16xi32> -> vector<16xf32>
      %min3A_908 = arith.minimumf %min3A_900, %gather3A_907 : vector<16xf32>
      %iota3A_909 = tpu.iota {dimensions = array<i32: 0>} : vector<16xi32>
      %xor3A_910 = arith.constant 1 : i32
      %xor3A_911 = vector.broadcast %xor3A_910 : i32 to vector<16xi32>
      %xor3A_912 = arith.xori %iota3A_909, %xor3A_911 : vector<16xi32>
      %broadcast_in_dim3A_913 = vector.shape_cast %xor3A_912 : vector<16xi32> to vector<16x1xi32>
      %gather3A_914 = vector.shape_cast %broadcast_in_dim3A_913 : vector<16x1xi32> to vector<16xi32>
      %gather3A_915 = tpu.dynamic_gather %min3A_908[%gather3A_914] in [0] : vector<16xf32>, vector<16xi32> -> vector<16xf32>
      %min3A_916 = arith.minimumf %min3A_908, %gather3A_915 : vector<16xf32>
      %slice3A_917 = vector.extract_strided_slice %min3A_916 {offsets = [0], sizes = [1], strides = [1]} : vector<16xf32> to vector<1xf32>
      %squeeze3A_918 = vector.extract %slice3A_917[0] : f32 from vector<1xf32>
      %add3A_919 = arith.addf %add3A_884, %squeeze3A_918 : f32
      scf.yield %add3A_919 : f32
    }
    %scan3A_45 = arith.constant 4 : i32
    %broadcast_in_dim3A_46 = vector.broadcast %scan3A_44 : f32 to vector<16xf32>
    %swap3A = arith.constant 0 : index
    %swap3A_47 = tpu.vector_load %arg13[%swap3A] {strides = array<i32>} : memref<16xf32, #tpu.memory_space<vmem>>, vector<16xf32>,
    %swap3A_48 = vector.shape_cast %swap3A_47 : vector<16xf32> to vector<16xf32>
    %swap3A_49 = vector.shape_cast %broadcast_in_dim3A_46 : vector<16xf32> to vector<16xf32>
    tpu.vector_store %arg13[%swap3A], %swap3A_49 {strides = array<i32>} : memref<16xf32, #tpu.memory_space<vmem>>, vector<16xf32>,
    "tpu.region"() ({
      %run_scoped3A = tpu.sem_alloc : memref<!tpu.dma_semaphore, #tpu.memory_space<semaphore_mem>>
      %dma_start3A = arith.constant 0 : i32
      %dma_start3A_50 = tpu.memref_slice %arg8[%add3A, %dma_start3A] : memref<32x16xf32, #tpu.memory_space<hbm>> -> memref<1x16xf32, #tpu.memory_space<hbm>>
      %dma_start3A_51 = tpu.memref_squeeze %dma_start3A_50 : memref<1x16xf32, #tpu.memory_space<hbm>> -> memref<16xf32, #tpu.memory_space<hbm>>
      %dma_start3A_52 = arith.constant 0 : i32
      %dma_start3A_53 = tpu.memref_slice %arg8[%add3A, %dma_start3A_52] : memref<32x16xf32, #tpu.memory_space<hbm>> -> memref<1x16xf32, #tpu.memory_space<hbm>>
      %dma_start3A_54 = tpu.memref_squeeze %dma_start3A_53 : memref<1x16xf32, #tpu.memory_space<hbm>> -> memref<16xf32, #tpu.memory_space<hbm>>
      tpu.enqueue_dma source(%arg13 : memref<16xf32, #tpu.memory_space<vmem>>) target(%dma_start3A_54 : memref<16xf32, #tpu.memory_space<hbm>>) target_semaphore(%run_scoped3A : memref<!tpu.dma_semaphore, #tpu.memory_space<semaphore_mem>>)
      %dma_wait3A = arith.constant 0 : i32
      %dma_wait3A_55 = tpu.memref_slice %arg8[%add3A, %dma_wait3A] : memref<32x16xf32, #tpu.memory_space<hbm>> -> memref<1x16xf32, #tpu.memory_space<hbm>>
      %dma_wait3A_56 = tpu.memref_squeeze %dma_wait3A_55 : memref<1x16xf32, #tpu.memory_space<hbm>> -> memref<16xf32, #tpu.memory_space<hbm>>
      %dma_wait3A_57 = arith.constant 0 : i32
      %dma_wait3A_58 = tpu.memref_slice %arg8[%add3A, %dma_wait3A_57] : memref<32x16xf32, #tpu.memory_space<hbm>> -> memref<1x16xf32, #tpu.memory_space<hbm>>
      %dma_wait3A_59 = tpu.memref_squeeze %dma_wait3A_58 : memref<1x16xf32, #tpu.memory_space<hbm>> -> memref<16xf32, #tpu.memory_space<hbm>>
      tpu.wait_dma2 semaphore(%run_scoped3A : memref<!tpu.dma_semaphore, #tpu.memory_space<semaphore_mem>>) src(%arg13 : memref<16xf32, #tpu.memory_space<vmem>>) dst(%dma_wait3A_59 : memref<16xf32, #tpu.memory_space<hbm>>)
      tpu.yield
    }) : () -> ()
    return
  }
}

module attributes {stable_mosaic.version = 14 : i64} {
  func.func @_tc_body(%arg0: i32, %arg1: i32, %arg2: memref<1x1792x3xf32, #tpu.memory_space<vmem>>, %arg3: memref<1x4096x3xf32, #tpu.memory_space<vmem>>, %arg4: memref<1x1xf32, #tpu.memory_space<smem>>) attributes {dimension_semantics = [#tpu.dimension_semantics<arbitrary>, #tpu.dimension_semantics<arbitrary>], iteration_bounds = array<i64: 4, 2>, scalar_prefetch = 0 : i64, scratch_operands = 0 : i64, tpu.core_type = #tpu.core_type<tc>, window_params = [{transform_indices = @transform_0, window_bounds = array<i64: 1, 1792, 3>}, {transform_indices = @transform_1, window_bounds = array<i64: 1, 4096, 3>}, {transform_indices = @transform_2, window_bounds = array<i64: 1, 1>}]} {
    %get3A = arith.constant 0 : index
    %get3A_0 = arith.constant 0 : index
    %get3A_1 = arith.constant 0 : index
    %get3A_2 = vector.load %arg2[%get3A, %get3A_0, %get3A_1] : memref<1x1792x3xf32, #tpu.memory_space<vmem>>, vector<1x1792x3xf32>
    %get3A_3 = vector.shape_cast %get3A_2 : vector<1x1792x3xf32> to vector<1792x3xf32>
    %slice3A = vector.extract_strided_slice %get3A_3 {offsets = [0, 0], sizes = [1792, 1], strides = [1, 1]} : vector<1792x3xf32> to vector<1792x1xf32>
    %slice3A_4 = vector.extract_strided_slice %get3A_3 {offsets = [0, 1], sizes = [1792, 1], strides = [1, 1]} : vector<1792x3xf32> to vector<1792x1xf32>
    %slice3A_5 = vector.extract_strided_slice %get3A_3 {offsets = [0, 2], sizes = [1792, 1], strides = [1, 1]} : vector<1792x3xf32> to vector<1792x1xf32>
    %get3A_6 = arith.constant 0 : index
    %get3A_7 = arith.constant 0 : index
    %get3A_8 = arith.constant 0 : index
    %get3A_9 = vector.load %arg3[%get3A_6, %get3A_7, %get3A_8] : memref<1x4096x3xf32, #tpu.memory_space<vmem>>, vector<1x4096x3xf32>
    %get3A_10 = vector.shape_cast %get3A_9 : vector<1x4096x3xf32> to vector<4096x3xf32>
    %mul3A = arith.mulf %slice3A, %slice3A : vector<1792x1xf32>
    %mul3A_11 = arith.mulf %slice3A_4, %slice3A_4 : vector<1792x1xf32>
    %add3A = arith.addf %mul3A, %mul3A_11 : vector<1792x1xf32>
    %mul3A_12 = arith.mulf %slice3A_5, %slice3A_5 : vector<1792x1xf32>
    %add3A_13 = arith.addf %add3A, %mul3A_12 : vector<1792x1xf32>
    %mul3A_14 = arith.mulf %get3A_10, %get3A_10 : vector<4096x3xf32>
    %reduce_sum3A = arith.constant dense<0.000000e+00> : vector<4096xf32>
    %reduce_sum3A_15 = vector.multi_reduction <add>, %mul3A_14, %reduce_sum3A [1] : vector<4096x3xf32> to vector<4096xf32>
    %broadcast_in_dim3A = vector.shape_cast %reduce_sum3A_15 : vector<4096xf32> to vector<4096x1xf32>
    %convert_element_type3A = arith.truncf %broadcast_in_dim3A : vector<4096x1xf32> to vector<4096x1xbf16>
    %convert_element_type3A_16 = arith.extf %convert_element_type3A : vector<4096x1xbf16> to vector<4096x1xf32>
    %sub3A = arith.subf %broadcast_in_dim3A, %convert_element_type3A_16 : vector<4096x1xf32>
    %broadcast_in_dim3A_17 = arith.constant 1.000000e+00 : f32
    %broadcast_in_dim3A_18 = vector.broadcast %broadcast_in_dim3A_17 : f32 to vector<1792x1xf32>
    %mul3A_19 = arith.constant 2.000000e+00 : f32
    %mul3A_20 = vector.broadcast %mul3A_19 : f32 to vector<1792x1xf32>
    %mul3A_21 = arith.mulf %mul3A_20, %slice3A : vector<1792x1xf32>
    %mul3A_22 = arith.constant -2.000000e+00 : f32
    %mul3A_23 = vector.broadcast %mul3A_22 : f32 to vector<1792x1xf32>
    %mul3A_24 = arith.mulf %mul3A_23, %slice3A_4 : vector<1792x1xf32>
    %mul3A_25 = arith.constant -2.000000e+00 : f32
    %mul3A_26 = vector.broadcast %mul3A_25 : f32 to vector<1792x1xf32>
    %mul3A_27 = arith.mulf %mul3A_26, %slice3A_5 : vector<1792x1xf32>
    %concatenate3A = tpu.concatenate %mul3A_21, %mul3A_24, %mul3A_27, %broadcast_in_dim3A_18, %broadcast_in_dim3A_18 in 1 : vector<1792x1xf32>, vector<1792x1xf32>, vector<1792x1xf32>, vector<1792x1xf32>, vector<1792x1xf32> -> vector<1792x5xf32>
    %concatenate3A_28 = tpu.concatenate %get3A_10, %convert_element_type3A_16, %sub3A in 1 : vector<4096x3xf32>, vector<4096x1xf32>, vector<4096x1xf32> -> vector<4096x5xf32>
    %convert_element_type3A_29 = arith.truncf %concatenate3A : vector<1792x5xf32> to vector<1792x5xbf16>
    %convert_element_type3A_30 = arith.truncf %concatenate3A_28 : vector<4096x5xf32> to vector<4096x5xbf16>
    %dot_general3A = arith.constant dense<0.000000e+00> : vector<1792x4096xf32>
    %dot_general3A_31 = tpu.matmul %convert_element_type3A_29, %convert_element_type3A_30, %dot_general3A {dimension_numbers = #tpu.dot_dimension_numbers<[1], [1], [0], [0], [0, 0, 1, 0], [], []>, transpose_lhs_hint = false} : vector<1792x5xbf16>, vector<4096x5xbf16>, vector<1792x4096xf32> -> vector<1792x4096xf32>
    %reduce_sum3A_32 = vector.shape_cast %add3A_13 : vector<1792x1xf32> to vector<1x1792x1xf32>
    %reduce_sum3A_33 = arith.constant dense<0.000000e+00> : vector<1xf32>
    %reduce_sum3A_34 = vector.multi_reduction <add>, %reduce_sum3A_32, %reduce_sum3A_33 [1, 2] : vector<1x1792x1xf32> to vector<1xf32>
    %reduce_sum3A_35 = vector.shape_cast %reduce_sum3A_34 : vector<1xf32> to vector<1x1x1xf32>
    %reduce_sum3A_36 = vector.extract %reduce_sum3A_35[0, 0, 0] : f32 from vector<1x1x1xf32>
    %reduce_min3A = arith.constant dense<0x7F800000> : vector<1792xf32>
    %reduce_min3A_37 = vector.multi_reduction <minimumf>, %dot_general3A_31, %reduce_min3A [1] : vector<1792x4096xf32> to vector<1792xf32>
    %reduce_sum3A_38 = vector.shape_cast %reduce_min3A_37 : vector<1792xf32> to vector<1x1792xf32>
    %reduce_sum3A_39 = arith.constant dense<0.000000e+00> : vector<1xf32>
    %reduce_sum3A_40 = vector.multi_reduction <add>, %reduce_sum3A_38, %reduce_sum3A_39 [1] : vector<1x1792xf32> to vector<1xf32>
    %reduce_sum3A_41 = vector.shape_cast %reduce_sum3A_40 : vector<1xf32> to vector<1x1xf32>
    %reduce_sum3A_42 = vector.extract %reduce_sum3A_41[0, 0] : f32 from vector<1x1xf32>
    %add3A_43 = arith.addf %reduce_sum3A_36, %reduce_sum3A_42 : f32
    %eq3A = arith.constant 0 : i32
    %eq3A_44 = arith.cmpi eq, %arg0, %eq3A : i32
    %eq3A_45 = arith.constant 0 : i32
    %eq3A_46 = arith.cmpi eq, %arg1, %eq3A_45 : i32
    %and3A = arith.andi %eq3A_44, %eq3A_46 : i1
    %convert_element_type3A_47 = arith.extui %and3A : i1 to i32
    %cond3A = arith.constant 0 : i32
    %cond3A_48 = arith.cmpi ne, %convert_element_type3A_47, %cond3A : i32
    scf.if %cond3A_48 {
      %swap3A_55 = arith.constant 0.000000e+00 : f32
      %swap3A_56 = arith.constant 0 : index
      %swap3A_57 = arith.constant 0 : index
      %swap3A_58 = memref.load %arg4[%swap3A_56, %swap3A_57] : memref<1x1xf32, #tpu.memory_space<smem>>
      memref.store %swap3A_55, %arg4[%swap3A_56, %swap3A_57] : memref<1x1xf32, #tpu.memory_space<smem>>
    } else {
    }
    %get3A_49 = arith.constant 0 : index
    %get3A_50 = arith.constant 0 : index
    %get3A_51 = memref.load %arg4[%get3A_49, %get3A_50] : memref<1x1xf32, #tpu.memory_space<smem>>
    %add3A_52 = arith.addf %get3A_51, %add3A_43 : f32
    %swap3A = arith.constant 0 : index
    %swap3A_53 = arith.constant 0 : index
    %swap3A_54 = memref.load %arg4[%swap3A, %swap3A_53] : memref<1x1xf32, #tpu.memory_space<smem>>
    memref.store %add3A_52, %arg4[%swap3A, %swap3A_53] : memref<1x1xf32, #tpu.memory_space<smem>>
    return
  }
  func.func @transform_0(%arg0: i32, %arg1: i32) -> (i32, i32, i32) {
    %c0_i32 = arith.constant 0 : i32
    %c0_i32_0 = arith.constant 0 : i32
    return %arg0, %arg1, %c0_i32 : i32, i32, i32
  }
  func.func @transform_1(%arg0: i32, %arg1: i32) -> (i32, i32, i32) {
    %c0_i32 = arith.constant 0 : i32
    %c0_i32_0 = arith.constant 0 : i32
    %c0_i32_1 = arith.constant 0 : i32
    return %arg0, %c0_i32, %c0_i32_0 : i32, i32, i32
  }
  func.func @transform_2(%arg0: i32, %arg1: i32) -> (i32, i32) {
    %c0_i32 = arith.constant 0 : i32
    %c0_i32_0 = arith.constant 0 : i32
    %c0_i32_1 = arith.constant 0 : i32
    return %c0_i32, %c0_i32_0 : i32, i32
  }
}

</mosaic_0001>

<sc_bundles>
// kernel: kernel.4.cloned.1.call-start
scs
__scs_entry_jumppad:
0x0: {  	(pc) =	sbr.rel $0x88, $3  }
0x1: {  	(tag) =	ssettag $0x0;
	lr =	simm.s32 $0x1  }
0x2: {  	[smem:$0x3FA0] =	sst lr;
	_ =	strace $0xD0000000  }
0x3: {  	_ = 	snop  }
0x4: {  	_ = 	snop  }
0x5: {  	_ = 	snop  }
0x6: {  	_ = 	snop  }
0x7: {  	_ = 	snop  }
__scs_overlays_trampoline_lowered:
0x8: {  	[smem:$0x3FAF] =	sst s0  }
0x9: {  	[smem:$0x3FB0] =	sst s1  }
0xa: {  	[smem:$0x3FB1] =	sst s2  }
0xb: {  	[smem:$0x3FB2] =	sst s3  }
0xc: {  	[smem:$0x3FB3] =	sst s4  }
0xd: {  	[smem:$0x3FB4] =	sst s5  }
0xe: {  	[smem:$0x3FB5] =	sst s6  }
0xf: {  	[smem:$0x3FB6] =	sst s7  }
0x10: {  	[smem:$0x3FB7] =	sst s8  }
0x11: {  	[smem:$0x3FB8] =	sst s9;
	s0 =	simm.s32 @!p0 $0x0  }
0x12: {  	s1 =	sld [smem:$0x3F9E];
	s0 =	simm.s32 @p0 $0x1  }
0x13: {  	[smem:$0x3FB9] =	sst s0;
	s0 =	simm.s32 @!p1 $0x0  }
0x14: {  	s2 =	sld [smem:$0x3F9D];
	s0 =	simm.s32 @p1 $0x1  }
0x15: {  	[smem:$0x3FBA] =	sst s0;
	s0 =	simm.s32 @!p2 $0x0  }
0x16: {  	s3 =	sld [smem:$0x3FDB];
	s0 =	simm.s32 @p2 $0x1  }
0x17: {  	s4 =	simm.s32 $0x1BF5;
	[smem:$0x3FBC] =	sst s0  }
0x18: {  	s0 =	sld [smem:$0x3F9F];
	_ =	swait.ge [sflag:s4], $0x0  }
0x19: {  	s7 =	sld [smem:$0x3FA0]  }
0x1a: {  	s8 =	sadd.s32 $0xFFFFE003, lr  }
0x1b: {  	s9 =	sadd.s32 $0xFFFFFEF7, lr;
	s5 =	simm.s32 $0xFFFFFFFF;
	p2 =	slt.u32 s8, $0xFFFFF086  }
0x1c: {  	p1 =	slt.u32 s9, $0xF7A;
	s5 =	simm.s32 @!p2 $0x0  }
0x1d: {  	s5 =	simm.s32 @p1 $0x1;
	p0 =	seq.s32 s7, s2  }
0x1e: {  	s7 =	smul.u32 @!p0 $0xF7A, s2;
	p2 =	seq.s32 @!p0 s5, $0x0  }
0x1f: {  	s9 =	smul.u32 $0xF7A, s1;
	s8 =	simm.s32 @!p0 $0x1BF5;
	p2 =	por !p2, p0  }
0x20: {  	[sflag:s8] =	ssyncset.s32 @!p0 $0xFFFFF086;
	s6 =	sadd.s32 @!p0 s3, s7;
	s7 =	simm.s32 @!p0 $0x108  }
0x21: {  	s3 =	sadd.s32 s3, s9;
	s6 =	sadd.s32 @!p0 $0x88, s6;
	s7 =	simm.s32 @p2 $0x1082  }
0x22: {  	[simem:s7], [sflag:s8] =	dma.local @!p0 [hbm:s6], $0xF7A  }
0x23: {  	s9 =	sor.u32 $0xD0000000, s2;
	s6 =	simm.s32 $0x108;
	_ =	swait.ge @!p0 [sflag:s8], $0x0  }
0x24: {  	s3 =	sadd.s32 $0x88, s3;
	s6 =	simm.s32 @!p1 $0x1082;
	[sflag:s4] =	ssyncset.s32 $0xFFFFF086  }
0x25: {  	[simem:s6], [sflag:s4] =	dma.local [hbm:s3], $0xF7A  }
0x26: {  	[smem:$0x3FA0] =	sst s1;
	(tag) =	ssettag s2;
	_ =	strace s9  }
0x27: {  	s1 =	sld [smem:$0x3FB0]  }
0x28: {  	s2 =	sld [smem:$0x3FB1]  }
0x29: {  	s4 =	sld [smem:$0x3FB3]  }
0x2a: {  	p0 =	seq.s32 s5, $0x0;
	s5 =	sld [smem:$0x3FB4]  }
0x2b: {  	s6 =	sld [smem:$0x3FB5]  }
0x2c: {  	s7 =	sld [smem:$0x3FB6]  }
0x2d: {  	s3 =	simm.s32 $0x108;
	s8 =	sld [smem:$0x3FB7]  }
0x2e: {  	s3 =	simm.s32 @!p0 $0x1082;
	s9 =	sld [smem:$0x3FB8]  }
0x2f: {  	lr =	sadd.s32 s0, s3;
	s0 =	sld [smem:$0x3FAF]  }
0x30: {  	s3 =	sld [smem:$0x3FB2]  }
0x31: {  	[smem:$0x3FBB] =	sst s10  }
0x32: {  	s10 =	sld [smem:$0x3FB9];
	_ =	sdelay $0x3  }
0x33: {  	p0 =	seq.s32 s10, $0x1;
	s10 =	sld [smem:$0x3FBB];
	_ =	sdelay $0x3  }
0x34: {  	[smem:$0x3FBB] =	sst s10  }
0x35: {  	s10 =	sld [smem:$0x3FBA];
	_ =	sdelay $0x3  }
0x36: {  	p1 =	seq.s32 s10, $0x1;
	s10 =	sld [smem:$0x3FBB];
	_ =	sdelay $0x3  }
0x37: {  	[smem:$0x3FBB] =	sst s10  }
0x38: {  	s10 =	sld [smem:$0x3FBC]  }
0x39: {  	_ = 	snop;
	(pc) =	sbr.ind lr, $3  }
0x3a: {  	_ = 	snop  }
0x3b: {  	_ = 	snop  }
0x3c: {  	p2 =	seq.s32 s10, $0x1;
	s10 =	sld [smem:$0x3FBB]  }
0x3d: {  	_ =	shalt  }
0x3e: {  	_ =	shalt  }
0x3f: {  	_ =	shalt  }
0x40: {  	_ =	shalt  }
0x41: {  	_ =	shalt  }
0x42: {  	_ =	shalt  }
0x43: {  	_ =	shalt  }
0x44: {  	_ =	shalt  }
0x45: {  	_ =	shalt  }
0x46: {  	_ =	shalt  }
0x47: {  	_ =	shalt  }
0x48: {  	_ =	shalt  }
0x49: {  	_ =	shalt  }
0x4a: {  	_ =	shalt  }
0x4b: {  	_ =	shalt  }
0x4c: {  	_ =	shalt  }
0x4d: {  	_ =	shalt  }
0x4e: {  	_ =	shalt  }
0x4f: {  	_ =	shalt  }
0x50: {  	_ =	shalt  }
0x51: {  	_ =	shalt  }
0x52: {  	_ =	shalt  }
0x53: {  	_ =	shalt  }
0x54: {  	_ =	shalt  }
0x55: {  	_ =	shalt  }
0x56: {  	_ =	shalt  }
0x57: {  	_ =	shalt  }
0x58: {  	_ =	shalt  }
0x59: {  	_ =	shalt  }
0x5a: {  	_ =	shalt  }
0x5b: {  	_ =	shalt  }
0x5c: {  	_ =	shalt  }
0x5d: {  	_ =	shalt  }
0x5e: {  	_ =	shalt  }
0x5f: {  	_ =	shalt  }
0x60: {  	_ =	shalt  }
0x61: {  	_ =	shalt  }
0x62: {  	_ =	shalt  }
0x63: {  	_ =	shalt  }
0x64: {  	_ =	shalt  }
0x65: {  	_ =	shalt  }
0x66: {  	_ =	shalt  }
0x67: {  	_ =	shalt  }
0x68: {  	_ =	shalt  }
0x69: {  	_ =	shalt  }
0x6a: {  	_ =	shalt  }
0x6b: {  	_ =	shalt  }
0x6c: {  	_ =	shalt  }
0x6d: {  	_ =	shalt  }
0x6e: {  	_ =	shalt  }
0x6f: {  	_ =	shalt  }
0x70: {  	_ =	shalt  }
0x71: {  	_ =	shalt  }
0x72: {  	_ =	shalt  }
0x73: {  	_ =	shalt  }
0x74: {  	_ =	shalt  }
0x75: {  	_ =	shalt  }
0x76: {  	_ =	shalt  }
0x77: {  	_ =	shalt  }
0x78: {  	_ =	shalt  }
0x79: {  	_ =	shalt  }
0x7a: {  	_ =	shalt  }
0x7b: {  	_ =	shalt  }
0x7c: {  	_ =	shalt  }
0x7d: {  	_ =	shalt  }
0x7e: {  	_ =	shalt  }
0x7f: {  	_ =	shalt  }
0x80: {  	_ =	shalt  }
0x81: {  	_ =	shalt  }
0x82: {  	_ =	shalt  }
0x83: {  	_ =	shalt  }
0x84: {  	_ =	shalt  }
0x85: {  	_ =	shalt  }
0x86: {  	_ =	shalt  }
0x87: {  	_ =	shalt  }
.Lfunc_end0:
.L_simem_size_0:
called_computation_lowered:
.L_overlay_start_0:
0x88: {  	s2 =	sld [smem:$0x3FD9]  }
0x89: {  	s3 =	sld [smem:$0x3FFE];
	_ =	sdelay $0x1  }
0x8a: {  	s1 =	srdreg.scid  }
0x8b: {  	s0 =	sand.u32 $0x1, s1  }
0x8c: {  	s16 =	sshll.u32 s0, $0xA;
	s2 =	sadd.s32 s3, s2  }
0x8d: {  	s2 =	sadd.s32 s2, s16  }
0x8e: {  	[smem:$0x3FC7] =	sst s2  }
0x8f: {  	_ = 	snop  }
0x90: {  	(tm) =	ssettm $0x1  }
0x91: {  	s17 =	sld [smem:$0x3FFB];
	_ =	sdelay $0x3  }
0x92: {  	_ =	strace s17  }
0x93: {  	s2 =	sld [smem:$0x3FFC];
	_ =	sdelay $0x3  }
0x94: {  	_ =	strace s2  }
0x95: {  	s2 =	sld [smem:$0x3FFD];
	_ =	sdelay $0x3  }
0x96: {  	_ =	strace s2  }
0x97: {  	_ =	strace $0x8FFFFFFF  }
0x98: {  	s18 =	sld [smem:$0x3FDB];
	_ =	sdelay $0x1  }
0x99: {  	s19 =	simm.s32 $_scs_section_size  }
0x9a: {  	s4 =	simm.s32 $_size__tile_overlayer_lowered;
	s5 =	simm.s32 $_tile_overlayer_lowered  }
0x9b: {  	s22 =	simm.s32 $0x1BFF;
	s21 =	sshll.u32 s5, $0x1;
	s2 =	sadd.s32 s19, s18  }
0x9c: {  	s6 =	simm.s32 $0x0;
	s20 =	sshll.u32 s4, $0x1;
	s4 =	sadd.s32 s21, s2  }
0x9d: {  	[timem:s6], [sflag:s22] =	dma.local [hbm:s4], s20  }
0x9e: {  	_ =	swait.ge [sflag:s22], s20  }
0x9f: {  	s3 =	ssub.s32 $0x0, s20;
	[sflag:s22] =	ssyncset.done $0x0  }
0xa0: {  	[sflag:s22] =	ssyncadd.s32 s3;
	_ =	sdelay $0x1  }
0xa1: {  	s23 =	simm.s32 $0x1B8B  }
0xa2: {  	_ =	swait.ge [sflag:s23], $0x1  }
0xa3: {  	[sflag:s23] =	ssyncset.done $0x0  }
0xa4: {  	s25 =	simm.s32 $0x1B8E;
	s24 =	sld [smem:$0x3FFE];
	[sflag:s23] =	ssyncadd.s32 $0xFFFFFFFF  }
0xa5: {  	s26 =	simm.s32 $execute0_lowered;
	[smem:$0x3FD2] =	sst s25  }
0xa6: {  	s4 =	sshll.u32 s26, $0x1;
	_ =	strace $0x80000046;
	[dreg:$0x1] =	wrdreg $0xFFFFFFFF  }
0xa7: {  	s28 =	simm.s32 $_size_execute0_lowered;
	s2 =	sadd.s32 s2, s4;
	[dreg:$0x0] =	wrdreg $0x0  }
0xa8: {  	s4 =	sshll.u32 s28, $0x1;
	[dreg:$0x2] =	wrdreg s2  }
0xa9: {  	[dreg:$0x3] =	wrdreg s4  }
0xaa: {  	[dreg:$0x4] =	wrdreg $0xC0  }
0xab: {  	_ =	task [dreg:s6], $0x5FFFF  }
0xac: {  	[dreg:$0x1] =	wrdreg $0xFFFFFFFF  }
0xad: {  	[dreg:$0x0] =	wrdreg $0x60  }
0xae: {  	[dreg:$0x2] =	wrdreg s24  }
0xaf: {  	[dreg:$0x3] =	wrdreg $0x9  }
0xb0: {  	_ =	task.clear_ibuf [dreg:s6], $0x4FFFF;
	_ =	strace $0x90000046  }
0xb1: {  	s29 =	simm.s32 $0x9;
	_ =	strace $0x80000048  }
0xb2: {  	_ =	swait.ge [sflag:s29], $0x1  }
0xb3: {  	[sflag:s29] =	ssyncadd.s32 $0xFFFFFFFF  }
0xb4: {  	_ =	strace $0x90000048  }
0xb5: {  	_ =	sfence  }
0xb6: {  	s30 =	sld [smem:$0x0];
	_ =	sdelay $0x2  }
0xb7: {  	s31 =	sshll.u32 s1, $0xD;
	s1 =	sshrl.u32 s1, $0x2  }
0xb8: {  	s3 =	sand.u32 $0x4000, s31;
	s1 =	sadd.s32 s1, s30  }
0xb9: {  	s0 =	sor.u32 s3, s0;
	s1 =	sshll.u32 s1, $0x11  }
0xba: {  	s0 =	sor.u32 s1, s0  }
0xbb: {  	s0 =	sadd.s32 $0x8F2B, s0  }
0xbc: {  	[sflag:s0] =	ssyncadd.remote.s32 $0x1  }
0xbd: {  	_ =	sfence.sel $0xFFFF  }
0xbe: {  	[dreg:$0x0] =	wrdreg $0xFFFFFFFF;
	(pc) =	sbr.abs _section_cstart, $3  }
0xbf: {  	[dreg:$0x1] =	wrdreg $0xFFFFFFFF  }
0xc0: {  	_ =	task.clear_ibuf [dreg:s6], $0x2FFFF;
	_ =	strace $0x9FFFFFFF  }
0xc1: {  	(tm) =	ssettm $0x7FFFFFFF  }
tec
execute0_lowered:
.L_overlay_start_1:
0x0: {  	(tag) =	ssettag $0x1  }
0x1: {  	v0 =	vimm.s32 $0xFEDCBA98  }
0x2: {  	v1 =	vimm.s32 $0x76543210;
	v2 =	vimm.s32 $0xBA98FEDC;
	v3 =	vimm.s32 $0x32107654  }
0x3: {  	s3 =	rddreg [dreg:$0x0];
	v4 =	vimm.s32 $0xDCFE98BA;
	v5 =	vimm.s32 $0x54761032;
	v6 =	vimm.s32 $0xEFCDAB89  }
0x4: {  	s0 =	simm.s32 $0x0;
	s1 =	stileid.u32;
	s5 =	srdreg.scid;
	v7 =	vimm.s32 $0x67452301;
	v0 =	vunpack.c.l.s4.s8 v0;
	v1 =	vunpack.c.l.s4.s8 v1  }
0x5: {  	s11 =	simm.s32 $0x80;
	s12 =	simm.s32 $0x200;
	s13 =	simm.s32 $0x1;
	v2 =	vunpack.c.l.s4.s8 v2;
	v3 =	vunpack.c.l.s4.s8 v3;
	v4 =	vunpack.c.l.s4.s8 v4  }
0x6: {  	s4 =	sshll.u32 s1, $0x2;
	s5 =	sand.u32 $0x1, s5;
	s6 =	sshll.u32 s1, $0x1;
	v5 =	vunpack.c.l.s4.s8 v5;
	v6 =	vunpack.c.l.s4.s8 v6;
	v7 =	vunpack.c.l.s4.s8 v7  }
0x7: {  	s2 =	simm.s32 $0x1000;
	s4 =	sand.u32 $0x30, s4;
	s26 =	sor.u32 s5, s6;
	v0 =	vunpack.c.0.s8.s32 v0;
	v2 =	vunpack.c.0.s8.s32 v2;
	v3 =	vunpack.c.0.s8.s32 v3  }
0x8: {  	[smem:$0x7FF] =	sst s0;
	s8 =	sadd.s32 s4, s3;
	s4 =	sshll.u32 s26, $0x6;
	v4 =	vunpack.c.0.s8.s32 v4;
	v5 =	vunpack.c.0.s8.s32 v5;
	v1 =	vunpack.c.0.s8.s32 v1  }
0x9: {  	_ =	strace $0x80000047;
	s5 =	ssub.s32 $0x2, s5;
	v6 =	vunpack.c.0.s8.s32 v6;
	v7 =	vunpack.c.0.s8.s32 v7;
	s17 =	sand.u32 $0x1C0, s4;
	v0 =	vand.u32 $0xF, v0  }
0xa: {  	s6 =	sshll.u32 s26, $0x4;
	s7 =	sshrl.u32 s5, $0x1;
	s28 =	sadd.s32 $0x2C00, s8;
	v2 =	vcombine.low v3, v2;
	v63 =	vmov s17;
	v0 =	vcombine.low v0, v1  }
0xb: {  	s9 =	sadd.s32 s6, s3;
	s29 =	sadd.s32 $0x2400, s8;
	[dreg:$0x2] =	wrdreg s28;
	v58 =	vcombine.low v5, v4;
	[tilespmem:$0x1FFF0] =	vst v63  }
0xc: {  	s10 =	ssub.s32 s5, s7;
	s30 =	sadd.s32 $0x1C00, s8;
	[dreg:$0x3] =	wrdreg s29;
	v59 =	vcombine.low v7, v6;
	v60 =	vand.u32 $0xF, v2;
	[tilespmem:$0x1FFB0] =	vst v0  }
0xd: {  	s31 =	sadd.s32 $0x1400, s8;
	s7 =	sadd.s32 $0xC00, s8;
	[dreg:$0x4] =	wrdreg s30;
	v61 =	vand.u32 $0xF, v58;
	[tilespmem:$0x1FFC0] =	vst v60  }
0xe: {  	s8 =	sadd.s32 $0x400, s8;
	s3 =	simm.s32 $0x2000;
	[dreg:$0x5] =	wrdreg s31;
	v62 =	vand.u32 $0xF, v59;
	[tilespmem:$0x1FFD0] =	vst v61  }
0xf: {  	s9 =	sadd.s32 $0x3400, s9;
	s10 =	smax.u32 s10, $0x1;
	s17 =	simm.s32 $0x0;
	[tilespmem:$0x1FFE0] =	vst v62  }
.LBB2_1:
0x10: {  	s1 =	rddreg [dreg:$0x2]  }
0x11: {  	[tilespmem:s0], [sflag:$0x1] =	stream.strided.gather [hbm4b:s1+s11], $0x1000, s12, s11, $0x38;
	[tilespmem:$0x4080] =	vst v63  }
0x12: {  	_ =	swait.ge [sflag:s13], $0x1000  }
0x13: {  	[sflag:s13] =	ssyncset.done $0x0  }
0x14: {  	s30 =	rddreg [dreg:$0x3];
	[sflag:s13] =	ssyncadd.s32 $0xFFFFF000  }
0x15: {  	[tilespmem:s2], [sflag:$0x1] =	stream.strided.gather [hbm4b:s30+s11], $0x1000, s12, s11, $0x38;
	[tilespmem:$0x4080] =	vst v63  }
0x16: {  	_ =	swait.ge [sflag:s13], $0x1000  }
0x17: {  	[sflag:s13] =	ssyncset.done $0x0  }
0x18: {  	s31 =	rddreg [dreg:$0x4];
	[sflag:s13] =	ssyncadd.s32 $0xFFFFF000  }
0x19: {  	[tilespmem:s3], [sflag:$0x1] =	stream.strided.gather [hbm4b:s31+s11], $0x1000, s12, s11, $0x38;
	[tilespmem:$0x4080] =	vst v63  }
0x1a: {  	_ =	swait.ge [sflag:s13], $0x1000  }
0x1b: {  	[sflag:s13] =	ssyncset.done $0x0  }
0x1c: {  	s18 =	simm.s32 $0x0;
	[sflag:s13] =	ssyncadd.s32 $0xFFFFF000  }
0x1d: {  	v4 =	vld [tilespmem:s18+$0x0]  }
0x1e: {  	v5 =	vld [tilespmem:s18+$0x1000]  }
0x1f: {  	v6 =	vld [tilespmem:s18+$0x2000];
	_ =	sdelay $0x2  }
0x20: {  	s19 =	simm.s32 $0x10  }
0x21: {  	v7 =	vmul.f32 v4, v4;
	v5 =	vmul.f32 v5, v5;
	v4 =	vld [tilespmem:s19+$0x0]  }
0x22: {  	v8 =	vmul.f32 v6, v6;
	v6 =	vld [tilespmem:s19+$0x1000]  }
0x23: {  	v7 =	vadd.f32 v5, v7  }
0x24: {  	v5 =	vld [tilespmem:s19+$0x2000]  }
0x25: {  	s20 =	simm.s32 $0x80;
	v7 =	vadd.f32 v8, v7  }
.LBB2_2:
0x26: {  	s21 =	sshra.s32 s20, $0x2;
	p0 =	sne.s32 s20, $0x3FC0  }
.Ltmp0:
0x27: {  	s20 =	sadd.s32 $0x40, s20;
	v8 =	vmul.f32 v4, v4;
	v4 =	vld [tilespmem:s21+$0x0];
	v9 =	vmul.f32 v6, v6;
	[tilespmem:s18+$0x3000] =	vst v7;
	(pc) =	sbr.rel @p0 .LBB2_2-.Ltmp0, $4  }
0x28: {  	s18 =	smov.u32 s19;
	s19 =	smov.u32 s21;
	v6 =	vld [tilespmem:s21+$0x1000]  }
0x29: {  	v7 =	vadd.f32 v9, v8;
	v8 =	vmul.f32 v5, v5  }
0x2a: {  	v5 =	vld [tilespmem:s19+$0x2000]  }
0x2b: {  	v7 =	vadd.f32 v8, v7  }
0x2c: {  	_ = 	snop  }
0x2d: {  	v4 =	vmul.f32 v4, v4;
	v6 =	vmul.f32 v6, v6;
	_ =	sdelay $0x1  }
0x2e: {  	v4 =	vadd.f32 v6, v4;
	v5 =	vmul.f32 v5, v5;
	_ =	sdelay $0x1  }
0x2f: {  	v4 =	vadd.f32 v5, v4  }
0x30: {  	[tilespmem:s18+$0x3000] =	vst v7  }
0x31: {  	s0 =	rddreg [dreg:$0x5];
	s18 =	simm.s32 $0x0;
	[tilespmem:s19+$0x3000] =	vst v4  }
0x32: {  	[tilespmem:s18], [sflag:$0x1] =	stream.strided.gather [hbm4b:s0+s11], $0x1000, s12, s11, $0x38;
	[tilespmem:$0x4080] =	vst v63  }
0x33: {  	_ =	swait.ge [sflag:s13], $0x1000  }
0x34: {  	[sflag:s13] =	ssyncset.done $0x0  }
0x35: {  	[sflag:s13] =	ssyncadd.s32 $0xFFFFF000  }
0x36: {  	[tilespmem:s2], [sflag:$0x1] =	stream.strided.gather [hbm4b:s7+s11], $0x1000, s12, s11, $0x38;
	[tilespmem:$0x4080] =	vst v63  }
0x37: {  	_ =	swait.ge [sflag:s13], $0x1000  }
0x38: {  	[sflag:s13] =	ssyncset.done $0x0  }
0x39: {  	[sflag:s13] =	ssyncadd.s32 $0xFFFFF000  }
0x3a: {  	[tilespmem:s3], [sflag:$0x1] =	stream.strided.gather [hbm4b:s8+s11], $0x1000, s12, s11, $0x38;
	[tilespmem:$0x4080] =	vst v63  }
0x3b: {  	_ =	swait.ge [sflag:s13], $0x1000  }
0x3c: {  	[sflag:s13] =	ssyncset.done $0x0  }
0x3d: {  	s19 =	simm.f32 $0.0e+00;
	[sflag:s13] =	ssyncadd.s32 $0xFFFFF000  }
.LBB2_4:
0x3e: {  	v0 =	vld [tilespmem:$0x1FFF0];
	_ =	sdelay $0x6  }
0x3f: {  	s20 =	sshll.u32 s18, $0x4  }
0x40: {  	v8 =	vld.idx.msk [tilespmem:v0+s20+$0x0 ss:$0x1], $0xffff  }
0x41: {  	v7 =	vld.idx.msk [tilespmem:v0+s20+$0x1000 ss:$0x1], $0xffff  }
0x42: {  	v6 =	vld.idx.msk [tilespmem:v0+s20+$0x2000 ss:$0x1], $0xffff;
	_ =	sdelay $0x2  }
0x43: {  	(v2sf) =	vpush v8, $0x0  }
0x44: {  	(v2sf) =	vpush v7, $0x0  }
0x45: {  	(v2sf) =	vpush v6, $0x0  }
0x46: {  	(v2sf) =	vpush v8, $0x1  }
0x47: {  	(v2sf) =	vpush v7, $0x1  }
0x48: {  	(v2sf) =	vpush v6, $0x1  }
0x49: {  	(v2sf) =	vpush v8, $0x2  }
0x4a: {  	(v2sf) =	vpush v7, $0x2  }
0x4b: {  	(v2sf) =	vpush v6, $0x2  }
0x4c: {  	(v2sf) =	vpush v8, $0x3;
	_ =	sdelay $0x1  }
0x4d: {  	(v2sf) =	vpush v7, $0x3  }
0x4e: {  	(v2sf) =	vpush v6, $0x3  }
0x4f: {  	(v2sf) =	vpush v8, $0x4  }
0x50: {  	(v2sf) =	vpush v7, $0x4  }
0x51: {  	(v2sf) =	vpush v6, $0x4;
	s21 =	spop (v2sf)  }
0x52: {  	(v2sf) =	vpush v8, $0x5;
	s22 =	spop (v2sf)  }
0x53: {  	s23 =	spop (v2sf)  }
0x54: {  	s24 =	spop (v2sf)  }
0x55: {  	s25 =	spop (v2sf)  }
0x56: {  	v0 =	vld.idx.msk [tilespmem:v0+s20+$0x3000 ss:$0x1], $0xffff;
	s21 =	sadd.f32 s21, s21;
	s26 =	spop (v2sf)  }
0x57: {  	s22 =	smul.f32 $-2.000000000e+00, s22;
	s28 =	spop (v2sf)  }
0x58: {  	(v2sf) =	vpush v7, $0x5;
	s23 =	smul.f32 $-2.000000000e+00, s23;
	s29 =	spop (v2sf)  }
0x59: {  	(v2sf) =	vpush v6, $0x5;
	s24 =	sadd.f32 s24, s24;
	s30 =	spop (v2sf)  }
0x5a: {  	(v2sf) =	vpush v8, $0x6;
	v9 =	vmov s23;
	s23 =	sadd.f32 s28, s28;
	s31 =	spop (v2sf)  }
0x5b: {  	v22 =	vbroadcast v0, $0x0;
	v16 =	vbroadcast v0, $0x1;
	(v2sf) =	vpush v7, $0x6;
	s25 =	smul.f32 $-2.000000000e+00, s25;
	s28 =	sadd.f32 s31, s31;
	s31 =	simm.s32 $0x0  }
0x5c: {  	v14 =	vbroadcast v0, $0x2;
	v13 =	vbroadcast v0, $0x3;
	(v2sf) =	vpush v6, $0x6;
	s26 =	smul.f32 $-2.000000000e+00, s26;
	s0 =	spop (v2sf);
	v4 =	vld [tilespmem:s31+$0x0]  }
0x5d: {  	v37 =	vbroadcast v0, $0x7;
	v19 =	vmov s21;
	(v2sf) =	vpush v8, $0x7;
	s29 =	smul.f32 $-2.000000000e+00, s29;
	s2 =	spop (v2sf);
	v34 =	vld [tilespmem:s31+$0x1000]  }
0x5e: {  	v18 =	vmov s22;
	v27 =	vmov s24;
	(v2sf) =	vpush v7, $0x7;
	s30 =	smul.f32 $-2.000000000e+00, s30;
	s16 =	spop (v2sf)  }
0x5f: {  	v20 =	vmov s25;
	v10 =	vmov s26;
	v23 =	vmov s23;
	s0 =	smul.f32 $-2.000000000e+00, s0;
	s1 =	spop (v2sf)  }
0x60: {  	v21 =	vmov s29;
	v11 =	vmov s30;
	v41 =	vld [tilespmem:s31+$0x3000];
	s2 =	smul.f32 $-2.000000000e+00, s2;
	v24 =	vmov s28;
	s3 =	spop (v2sf)  }
0x61: {  	v35 =	vld [tilespmem:s31+$0x2000];
	s16 =	sadd.f32 s16, s16;
	v25 =	vmov s0;
	s4 =	spop (v2sf);
	(v2sf) =	vpush v6, $0x7;
	v36 =	vmul.f32 v4, v19  }
0x62: {  	s1 =	smul.f32 $-2.000000000e+00, s1;
	v12 =	vmov s2;
	v42 =	vmul.f32 v4, v27;
	v45 =	vmul.f32 v34, v18  }
0x63: {  	v28 =	vmov s16;
	v46 =	vmul.f32 v34, v20;
	v47 =	vmul.f32 v4, v23  }
0x64: {  	v29 =	vmov s1;
	v48 =	vmul.f32 v34, v21;
	v59 =	vmul.f32 v4, v24  }
0x65: {  	s3 =	smul.f32 $-2.000000000e+00, s3;
	v49 =	vmul.f32 v34, v25;
	v60 =	vadd.f32 v41, v37;
	v50 =	vmul.f32 v4, v28  }
0x66: {  	s20 =	sadd.f32 s4, s4;
	v63 =	vmul.f32 v35, v9;
	v2 =	vadd.f32 v41, v22;
	v57 =	vmul.f32 v35, v10  }
0x67: {  	s14 =	spop (v2sf);
	v54 =	vadd.f32 v41, v13;
	v15 =	vmov s3;
	v61 =	vmul.f32 v34, v29  }
0x68: {  	s5 =	spop (v2sf);
	s14 =	smul.f32 $-2.000000000e+00, s14;
	v30 =	vmov s20;
	v36 =	vadd.f32 v45, v36;
	v42 =	vadd.f32 v46, v42  }
0x69: {  	s22 =	smul.f32 $-2.000000000e+00, s5;
	v62 =	vadd.f32 v48, v47;
	v45 =	vadd.f32 v49, v59;
	v59 =	vmul.f32 v35, v12  }
0x6a: {  	s15 =	spop (v2sf);
	v48 =	vimm.f32 $+Inf;
	v31 =	vmov s14;
	v51 =	vmul.f32 v4, v30  }
0x6b: {  	s6 =	spop (v2sf);
	s24 =	sadd.f32 s15, s15;
	v46 =	vadd.f32 v61, v50;
	v17 =	vmov s22;
	v47 =	vadd.f32 v63, v36  }
0x6c: {  	s23 =	spop (v2sf);
	s26 =	smul.f32 $-2.000000000e+00, s6;
	v52 =	vmul.f32 v34, v31;
	v42 =	vadd.f32 v57, v42;
	v45 =	vadd.f32 v59, v45  }
0x6d: {  	s31 =	simm.s32 $0x10;
	v63 =	vadd.f32 v41, v16;
	v36 =	vbroadcast v0, $0x6;
	s25 =	spop (v2sf);
	v32 =	vmov s24;
	s1 =	smul.f32 $-2.000000000e+00, s23  }
0x6e: {  	v55 =	vld [tilespmem:s31+$0x1000];
	v61 =	vmul.f32 v35, v17;
	s28 =	spop (v2sf);
	s0 =	sadd.f32 s25, s25;
	v33 =	vmov s26;
	v1 =	vadd.f32 v52, v51  }
0x6f: {  	v52 =	vld [tilespmem:s31+$0x0];
	v47 =	vadd.f32 v47, v2;
	v51 =	vadd.f32 v42, v63;
	s29 =	smul.f32 $-2.000000000e+00, s28;
	v26 =	vmov s1  }
0x70: {  	v45 =	vadd.f32 v45, v54;
	v38 =	vmov s0;
	v53 =	vmul.f32 v35, v26;
	s30 =	spop (v2sf)  }
0x71: {  	v42 =	vmin.f32 v48, v47;
	v39 =	vmov s29;
	v43 =	vmul.f32 v4, v38;
	s0 =	smul.f32 $-2.000000000e+00, s30  }
0x72: {  	v45 =	vmin.f32 v48, v45;
	v4 =	vmul.f32 v4, v32;
	v44 =	vmul.f32 v34, v39  }
0x73: {  	v34 =	vmul.f32 v34, v33;
	v63 =	vmul.f32 v55, v39;
	v40 =	vmov s0  }
0x74: {  	v47 =	vmul.f32 v52, v19;
	v43 =	vadd.f32 v44, v43;
	v58 =	vmul.f32 v35, v40  }
0x75: {  	v2 =	vmul.f32 v52, v27;
	v4 =	vadd.f32 v34, v4;
	v34 =	vbroadcast v0, $0x4  }
0x76: {  	v59 =	vmul.f32 v52, v24;
	v43 =	vadd.f32 v58, v43;
	v58 =	vmul.f32 v35, v11  }
0x77: {  	v4 =	vadd.f32 v53, v4;
	v56 =	vadd.f32 v41, v34;
	v53 =	vmul.f32 v52, v28  }
0x78: {  	v43 =	vadd.f32 v43, v60;
	v60 =	vmul.f32 v35, v15;
	v44 =	vadd.f32 v58, v62  }
0x79: {  	v62 =	vadd.f32 v61, v1;
	v35 =	vbroadcast v0, $0x5;
	v1 =	vadd.f32 v41, v14  }
0x7a: {  	[tilespmem:$0x1FFA0] =	vst v0;
	v49 =	vld [tilespmem:s31+$0x3000];
	v61 =	vmul.f32 v52, v38;
	v0 =	vmul.f32 v55, v20;
	v46 =	vadd.f32 v60, v46  }
0x7b: {  	v58 =	vld [tilespmem:s31+$0x2000];
	v57 =	vadd.f32 v41, v35;
	v41 =	vadd.f32 v41, v36;
	v43 =	vmin.f32 v48, v43  }
0x7c: {  	v44 =	vadd.f32 v44, v1;
	v54 =	vadd.f32 v63, v61;
	v60 =	vmul.f32 v55, v25  }
0x7d: {  	v61 =	vmul.f32 v55, v29;
	v63 =	vmul.f32 v52, v30;
	v46 =	vadd.f32 v46, v56  }
0x7e: {  	v62 =	vadd.f32 v62, v57;
	v50 =	vadd.f32 v4, v41;
	v4 =	vmul.f32 v55, v18  }
0x7f: {  	v41 =	vmin.f32 v48, v51;
	v51 =	vmul.f32 v52, v23;
	v56 =	vadd.f32 v49, v37  }
0x80: {  	v57 =	vadd.f32 v0, v2;
	v0 =	vmul.f32 v55, v31;
	v1 =	vmul.f32 v58, v40  }
0x81: {  	v44 =	vmin.f32 v48, v44;
	v47 =	vadd.f32 v4, v47;
	v4 =	vmul.f32 v55, v21  }
0x82: {  	v2 =	vmul.f32 v58, v10;
	v0 =	vadd.f32 v0, v63;
	v54 =	vadd.f32 v1, v54  }
0x83: {  	v1 =	vmul.f32 v58, v17;
	v51 =	vadd.f32 v4, v51;
	v4 =	vmul.f32 v52, v32  }
0x84: {  	v52 =	vmul.f32 v55, v33;
	v55 =	vadd.f32 v60, v59;
	v59 =	vadd.f32 v61, v53  }
0x85: {  	v53 =	vmul.f32 v58, v9;
	v61 =	vmul.f32 v58, v15;
	v54 =	vadd.f32 v54, v56  }
0x86: {  	v56 =	vmul.f32 v58, v11;
	v60 =	vadd.f32 v52, v4;
	v4 =	vadd.f32 v49, v22  }
0x87: {  	v53 =	vadd.f32 v53, v47;
	v47 =	vmul.f32 v58, v12;
	v52 =	vadd.f32 v1, v0  }
0x88: {  	v43 =	vmin.f32 v43, v54;
	v54 =	vadd.f32 v2, v57;
	v57 =	vadd.f32 v56, v51  }
0x89: {  	v2 =	vmul.f32 v58, v26;
	v58 =	vadd.f32 v61, v59;
	v59 =	vadd.f32 v49, v16  }
0x8a: {  	s21 =	simm.s32 $0x20;
	v46 =	vmin.f32 v48, v46;
	v61 =	vadd.f32 v49, v14;
	v56 =	vadd.f32 v47, v55  }
0x8b: {  	s20 =	simm.s32 $0xC0;
	v51 =	vld [tilespmem:s21+$0x0];
	v47 =	vmin.f32 v48, v62;
	v55 =	vadd.f32 v2, v60;
	v60 =	vadd.f32 v49, v13  }
.LBB2_5:
0x8c: {  	p0 =	sne.s32 s20, $0x3FC0;
	v0 =	vld [tilespmem:s21+$0x1000];
	v62 =	vadd.f32 v49, v34;
	v63 =	vadd.f32 v49, v35;
	v48 =	vmin.f32 v48, v50  }
0x8d: {  	v4 =	vadd.f32 v53, v4;
	v50 =	vadd.f32 v49, v36  }
0x8e: {  	v53 =	vadd.f32 v54, v59;
	v59 =	vadd.f32 v57, v61;
	v1 =	vld [tilespmem:s21+$0x2000]  }
0x8f: {  	v60 =	vadd.f32 v56, v60;
	v42 =	vmin.f32 v42, v4;
	v61 =	vadd.f32 v58, v62  }
0x90: {  	v62 =	vadd.f32 v52, v63;
	v49 =	vld [tilespmem:s21+$0x3000];
	v4 =	vmul.f32 v51, v19;
	v54 =	vmul.f32 v51, v27  }
0x91: {  	v50 =	vadd.f32 v55, v50;
	v52 =	vmul.f32 v51, v38;
	v56 =	vmul.f32 v0, v39  }
0x92: {  	v41 =	vmin.f32 v41, v53;
	v55 =	vmul.f32 v0, v18;
	v57 =	vmul.f32 v0, v20  }
0x93: {  	v53 =	vmul.f32 v51, v23;
	v52 =	vadd.f32 v56, v52;
	v56 =	vmul.f32 v1, v40  }
0x94: {  	v58 =	vmul.f32 v51, v24;
	v55 =	vadd.f32 v55, v4;
	v4 =	vmul.f32 v0, v21  }
0x95: {  	v63 =	vmul.f32 v0, v25;
	v52 =	vadd.f32 v56, v52;
	v56 =	vadd.f32 v49, v37  }
0x96: {  	v2 =	vmul.f32 v0, v29;
	v54 =	vadd.f32 v57, v54;
	v57 =	vmul.f32 v51, v28  }
0x97: {  	v3 =	vmul.f32 v51, v30;
	v5 =	vmul.f32 v0, v31;
	v52 =	vadd.f32 v52, v56  }
0x98: {  	v0 =	vmul.f32 v0, v33;
	v56 =	vadd.f32 v4, v53;
	v4 =	vmul.f32 v51, v32  }
0x99: {  	v2 =	vadd.f32 v2, v57;
	v51 =	vadd.f32 v63, v58;
	v43 =	vmin.f32 v43, v52  }
0x9a: {  	v3 =	vadd.f32 v5, v3;
	v52 =	vmul.f32 v1, v9;
	v0 =	vadd.f32 v0, v4  }
0x9b: {  	v5 =	vmul.f32 v1, v10;
	v57 =	vmul.f32 v1, v11;
	v4 =	vadd.f32 v49, v22  }
0x9c: {  	v53 =	vadd.f32 v52, v55;
	v52 =	vmul.f32 v1, v12;
	v55 =	vmul.f32 v1, v15  }
.Ltmp1:
0x9d: {  	v54 =	vadd.f32 v5, v54;
	v5 =	vmul.f32 v1, v17;
	v1 =	vmul.f32 v1, v26;
	(pc) =	sbr.rel @p0 .LBB2_5-.Ltmp1, $4  }
0x9e: {  	v44 =	vmin.f32 v44, v59;
	v57 =	vadd.f32 v57, v56;
	v56 =	vadd.f32 v52, v51  }
0x9f: {  	v45 =	vmin.f32 v45, v60;
	v58 =	vadd.f32 v55, v2;
	v52 =	vadd.f32 v5, v3  }
0xa0: {  	s21 =	sshra.s32 s20, $0x2;
	v46 =	vmin.f32 v46, v61;
	v59 =	vadd.f32 v49, v16;
	v55 =	vadd.f32 v1, v0  }
0xa1: {  	s20 =	sadd.s32 $0x40, s20;
	v47 =	vmin.f32 v47, v62;
	v61 =	vadd.f32 v49, v14;
	v60 =	vadd.f32 v49, v13;
	v51 =	vld [tilespmem:s21+$0x0]  }
0xa2: {  	v1 =	vadd.f32 v49, v34;
	v2 =	vadd.f32 v49, v35  }
0xa3: {  	v3 =	vadd.f32 v53, v4;
	v4 =	vadd.f32 v49, v36  }
0xa4: {  	v62 =	vadd.f32 v54, v59;
	(v2sf) =	vpush v8, $0x8  }
0xa5: {  	v0 =	vld [tilespmem:s21+$0x1000];
	v63 =	vadd.f32 v57, v61;
	v57 =	vadd.f32 v56, v60  }
0xa6: {  	v5 =	vld [tilespmem:s21+$0x2000];
	v48 =	vmin.f32 v48, v50;
	(v2sf) =	vpush v7, $0x8;
	v1 =	vadd.f32 v58, v1  }
0xa7: {  	v2 =	vadd.f32 v52, v2;
	v4 =	vadd.f32 v55, v4;
	v3 =	vmin.f32 v42, v3  }
0xa8: {  	(v2sf) =	vpush v6, $0x8;
	v19 =	vmul.f32 v51, v19;
	v27 =	vmul.f32 v51, v27  }
0xa9: {  	(v2sf) =	vpush v8, $0x9;
	v38 =	vmul.f32 v51, v38;
	v23 =	vmul.f32 v51, v23  }
0xaa: {  	v58 =	vld [tilespmem:s21+$0x3000];
	(v2sf) =	vpush v7, $0x9;
	v39 =	vmul.f32 v0, v39;
	v18 =	vmul.f32 v0, v18  }
0xab: {  	v1 =	vmin.f32 v46, v1;
	v20 =	vmul.f32 v0, v20;
	v59 =	vmul.f32 v5, v40  }
0xac: {  	v9 =	vmul.f32 v5, v9;
	v10 =	vmul.f32 v5, v10;
	(v2sf) =	vpush v6, $0x9  }
0xad: {  	(v2sf) =	vpush v8, $0xA;
	v18 =	vadd.f32 v18, v19;
	v19 =	vmul.f32 v0, v21  }
0xae: {  	v38 =	vadd.f32 v39, v38;
	v21 =	vmul.f32 v51, v24;
	v24 =	vmul.f32 v0, v25  }
0xaf: {  	v37 =	vadd.f32 v58, v37;
	v20 =	vadd.f32 v20, v27;
	v27 =	vmul.f32 v51, v28  }
0xb0: {  	v28 =	vmul.f32 v0, v29;
	(v2sf) =	vpush v7, $0xA;
	v16 =	vadd.f32 v58, v16  }
0xb1: {  	v29 =	vmul.f32 v51, v30;
	v14 =	vadd.f32 v58, v14;
	v13 =	vadd.f32 v58, v13  }
0xb2: {  	v30 =	vmul.f32 v0, v31;
	(v2sf) =	vpush v6, $0xA;
	v25 =	vadd.f32 v59, v38  }
0xb3: {  	v11 =	vmul.f32 v5, v11;
	v19 =	vadd.f32 v19, v23;
	v21 =	vadd.f32 v24, v21  }
0xb4: {  	v12 =	vmul.f32 v5, v12;
	v24 =	vadd.f32 v28, v27;
	v27 =	vadd.f32 v30, v29  }
0xb5: {  	v0 =	vmul.f32 v0, v33;
	v9 =	vadd.f32 v9, v18;
	v10 =	vadd.f32 v10, v20  }
0xb6: {  	v23 =	vmul.f32 v51, v32;
	(v2sf) =	vpush v8, $0xB;
	v20 =	vadd.f32 v58, v34  }
0xb7: {  	v15 =	vmul.f32 v5, v15;
	(v2sf) =	vpush v7, $0xB;
	v25 =	vadd.f32 v25, v37  }
0xb8: {  	v17 =	vmul.f32 v5, v17;
	v0 =	vadd.f32 v0, v23;
	v23 =	vadd.f32 v58, v22  }
0xb9: {  	v2 =	vmin.f32 v47, v2;
	v11 =	vadd.f32 v11, v19;
	v12 =	vadd.f32 v12, v21  }
0xba: {  	v5 =	vmul.f32 v5, v26;
	v15 =	vadd.f32 v15, v24;
	v17 =	vadd.f32 v17, v27  }
0xbb: {  	v4 =	vmin.f32 v48, v4;
	(v2sf) =	vpush v6, $0xB;
	v21 =	vadd.f32 v58, v35  }
0xbc: {  	v18 =	vmin.f32 v41, v62;
	v10 =	vadd.f32 v10, v16;
	v0 =	vadd.f32 v5, v0  }
0xbd: {  	v19 =	vmin.f32 v45, v57;
	v9 =	vadd.f32 v9, v23;
	v23 =	vadd.f32 v58, v36  }
0xbe: {  	v22 =	vmin.f32 v43, v25;
	v11 =	vadd.f32 v11, v14;
	v24 =	vadd.f32 v12, v13;
	v25 =	vld [tilespmem:$0x1FFB0]  }
0xbf: {  	v5 =	vmin.f32 v44, v63;
	v20 =	vadd.f32 v15, v20;
	s0 =	spop (v2sf);
	(v2sf) =	vpush v8, $0xC  }
0xc0: {  	v21 =	vadd.f32 v17, v21;
	v10 =	vmin.f32 v18, v10;
	s1 =	spop (v2sf);
	(v2sf) =	vpush v7, $0xC  }
0xc1: {  	v26 =	vld [tilespmem:$0x1FFC0];
	v3 =	vmin.f32 v3, v9;
	v0 =	vadd.f32 v0, v23;
	v5 =	vmin.f32 v5, v11;
	s0 =	sadd.f32 s0, s0  }
0xc2: {  	v1 =	vmin.f32 v1, v20;
	v2 =	vmin.f32 v2, v21;
	s1 =	smul.f32 $-2.000000000e+00, s1;
	s2 =	spop (v2sf);
	(v2sf) =	vpush v6, $0xC  }
0xc3: {  	v0 =	vmin.f32 v4, v0;
	v9 =	vperm.xlane v3, v25;
	v12 =	vmov s0;
	s5 =	smul.f32 $-2.000000000e+00, s2  }
0xc4: {  	s6 =	spop (v2sf);
	(v2sf) =	vpush v8, $0xD;
	v17 =	vperm.xlane v10, v25;
	v13 =	vmov s1  }
0xc5: {  	v27 =	vld [tilespmem:$0x1FFD0];
	s14 =	spop (v2sf);
	s1 =	sadd.f32 s6, s6;
	(v2sf) =	vpush v7, $0xD;
	v3 =	vmin.f32 v3, v9;
	v9 =	vmov s5  }
0xc6: {  	s15 =	smul.f32 $-2.000000000e+00, s14;
	s16 =	spop (v2sf);
	(v2sf) =	vpush v6, $0xD;
	v10 =	vmin.f32 v10, v17;
	v15 =	vperm.xlane v3, v26  }
0xc7: {  	v14 =	vmov s1;
	s20 =	smul.f32 $-2.000000000e+00, s16;
	s21 =	spop (v2sf);
	(v2sf) =	vpush v8, $0xE;
	v23 =	vperm.xlane v10, v26  }
0xc8: {  	v63 =	vld [tilespmem:$0x1FFE0];
	v16 =	vmov s15;
	s22 =	sadd.f32 s21, s21;
	s23 =	spop (v2sf);
	(v2sf) =	vpush v7, $0xE;
	v3 =	vmin.f32 v3, v15  }
0xc9: {  	s24 =	smul.f32 $-2.000000000e+00, s23;
	s25 =	spop (v2sf);
	(v2sf) =	vpush v6, $0xE;
	v4 =	vmin.f32 v10, v23;
	v10 =	vperm.xlane v5, v25  }
0xca: {  	s2 =	smul.f32 $-2.000000000e+00, s25;
	s26 =	spop (v2sf);
	(v2sf) =	vpush v8, $0xF;
	v8 =	vmin.f32 v19, v24;
	v19 =	vperm.xlane v3, v27  }
0xcb: {  	v11 =	vmov s20;
	v17 =	vmov s22;
	v18 =	vmov s24;
	s28 =	spop (v2sf);
	s0 =	sadd.f32 s26, s26  }
0xcc: {  	v5 =	vmin.f32 v5, v10;
	v15 =	vmov s2;
	s1 =	smul.f32 $-2.000000000e+00, s28;
	v23 =	vmin.f32 v3, v19;
	s28 =	simm.s32 $0x0  }
0xcd: {  	s29 =	spop (v2sf);
	v3 =	vperm.xlane v4, v27;
	v20 =	vmov s0;
	v10 =	vperm.xlane v23, v63;
	v60 =	vld [tilespmem:s28+$0x2000]  }
0xce: {  	v21 =	vmov s1;
	s30 =	spop (v2sf);
	(v2sf) =	vpush v7, $0xF;
	v7 =	vperm.xlane v8, v25  }
0xcf: {  	s2 =	smul.f32 $-2.000000000e+00, s29;
	[tilespmem:$0x1FED0] =	vst v10;
	v10 =	vmin.f32 v4, v3;
	v3 =	vperm.xlane v5, v26;
	s31 =	spop (v2sf);
	(v2sf) =	vpush v6, $0xF  }
0xd0: {  	v6 =	vperm.xlane v1, v25;
	v4 =	vmin.f32 v8, v7;
	v7 =	vperm.xlane v2, v25  }
0xd1: {  	v19 =	vmov s2;
	[tilespmem:$0x1FEE0] =	vst v10;
	s0 =	sadd.f32 s30, s30;
	v8 =	vperm.xlane v10, v63;
	v10 =	vperm.xlane v22, v25  }
0xd2: {  	v3 =	vmin.f32 v5, v3;
	s3 =	spop (v2sf);
	s1 =	smul.f32 $-2.000000000e+00, s31;
	v53 =	vmul.f32 v60, v11;
	v54 =	vmul.f32 v60, v15  }
0xd3: {  	v28 =	vmov s0;
	s4 =	smul.f32 $-2.000000000e+00, s3;
	s5 =	spop (v2sf);
	v5 =	vperm.xlane v4, v26;
	v1 =	vmin.f32 v1, v6  }
0xd4: {  	v29 =	vmov s1;
	s6 =	sadd.f32 s5, s5;
	[tilespmem:$0x1FEF0] =	vst v8;
	v8 =	vperm.xlane v3, v27;
	v2 =	vmin.f32 v2, v7  }
0xd5: {  	[tilespmem:$0x1FEC0] =	vst v23;
	v7 =	vperm.xlane v0, v25;
	v23 =	vmov s4;
	v4 =	vmin.f32 v4, v5  }
0xd6: {  	s14 =	spop (v2sf);
	v5 =	vperm.xlane v1, v26;
	v6 =	vperm.xlane v2, v26;
	v31 =	vmov s6  }
0xd7: {  	s15 =	spop (v2sf);
	v24 =	vperm.xlane v4, v27;
	v0 =	vmin.f32 v0, v7;
	v58 =	vmin.f32 v3, v8  }
0xd8: {  	s0 =	smul.f32 $-2.000000000e+00, s15;
	v55 =	vmul.f32 v60, v23;
	v1 =	vmin.f32 v1, v5;
	v5 =	vmin.f32 v22, v10  }
0xd9: {  	v2 =	vmin.f32 v2, v6;
	v6 =	vperm.xlane v0, v26;
	v10 =	vld [tilespmem:s28+$0x0];
	v7 =	vperm.xlane v5, v26  }
0xda: {  	s20 =	spop (v2sf);
	v30 =	vmov s0;
	v3 =	vperm.xlane v1, v27;
	v8 =	vperm.xlane v2, v27  }
0xdb: {  	s16 =	smul.f32 $-2.000000000e+00, s14;
	s22 =	spop (v2sf);
	v4 =	vmin.f32 v4, v24;
	v0 =	vmin.f32 v0, v6;
	v56 =	vmul.f32 v60, v30  }
0xdc: {  	s23 =	spop (v2sf);
	[tilespmem:$0x1FF20] =	vst v4;
	v5 =	vmin.f32 v5, v7;
	v4 =	vperm.xlane v0, v27;
	v7 =	vld [tilespmem:s28+$0x1000];
	v61 =	vmin.f32 v2, v8  }
0xdd: {  	v32 =	vmov s16;
	s25 =	spop (v2sf);
	s0 =	smul.f32 $-2.000000000e+00, s23;
	v6 =	vperm.xlane v5, v27;
	[tilespmem:$0x1FF50] =	vst v61;
	v61 =	vperm.xlane v61, v63  }
0xde: {  	s26 =	sadd.f32 s25, s25;
	v62 =	vmin.f32 v1, v3;
	v43 =	vmul.f32 v10, v12;
	v48 =	vmul.f32 v10, v14  }
0xdf: {  	v27 =	vld [tilespmem:$0x1FFA0];
	v39 =	vmov s0;
	v25 =	vmul.f32 v10, v17;
	v50 =	vmul.f32 v10, v28  }
0xe0: {  	s21 =	sadd.f32 s20, s20;
	v41 =	vmov s26;
	v51 =	vmul.f32 v10, v31;
	v1 =	vmul.f32 v60, v39  }
0xe1: {  	s24 =	smul.f32 $-2.000000000e+00, s22;
	v57 =	vmin.f32 v0, v4;
	v4 =	vmul.f32 v10, v41;
	v22 =	vmul.f32 v7, v13  }
0xe2: {  	v36 =	vmov s21;
	v3 =	vld [tilespmem:s28+$0x3000];
	v24 =	vmul.f32 v7, v16;
	v26 =	vmul.f32 v7, v18  }
0xe3: {  	v38 =	vmov s24;
	v49 =	vmul.f32 v7, v21;
	v52 =	vmul.f32 v7, v32  }
0xe4: {  	v5 =	vmin.f32 v5, v6;
	s29 =	spop (v2sf);
	v35 =	vbroadcast v27, $0xA;
	v34 =	vbroadcast v27, $0xB  }
0xe5: {  	s1 =	smul.f32 $-2.000000000e+00, s29;
	v40 =	vbroadcast v27, $0xF;
	v42 =	vbroadcast v27, $0xC;
	v2 =	vadd.f32 v22, v43  }
0xe6: {  	s30 =	spop (v2sf);
	v22 =	vmul.f32 v10, v20;
	v0 =	vadd.f32 v24, v48;
	v24 =	vmul.f32 v7, v29  }
0xe7: {  	v10 =	vmul.f32 v10, v36;
	v45 =	vmov s1;
	s1 =	smul.f32 $-2.000000000e+00, s30;
	v47 =	vadd.f32 v3, v35  }
0xe8: {  	v59 =	vadd.f32 v3, v34;
	v6 =	vadd.f32 v3, v42;
	v8 =	vmul.f32 v7, v45  }
0xe9: {  	v7 =	vmul.f32 v7, v38;
	v22 =	vadd.f32 v49, v22;
	v46 =	vmov s1  }
0xea: {  	s31 =	simm.s32 $0x10;
	v24 =	vadd.f32 v24, v50;
	v4 =	vadd.f32 v8, v4;
	v8 =	vmul.f32 v60, v46  }
0xeb: {  	v37 =	vbroadcast v27, $0x8;
	v0 =	vadd.f32 v53, v0;
	v49 =	vld [tilespmem:s31+$0x1000];
	v7 =	vadd.f32 v7, v10  }
0xec: {  	v33 =	vbroadcast v27, $0x9;
	v4 =	vadd.f32 v8, v4;
	v8 =	vadd.f32 v3, v40  }
0xed: {  	v44 =	vbroadcast v27, $0xE;
	v24 =	vadd.f32 v55, v24;
	v1 =	vadd.f32 v1, v7;
	v7 =	vld [tilespmem:s31+$0x0]  }
0xee: {  	v4 =	vadd.f32 v4, v8;
	v8 =	vadd.f32 v26, v25;
	v25 =	vmul.f32 v60, v9  }
0xef: {  	v43 =	vbroadcast v27, $0xD;
	v10 =	vadd.f32 v3, v37;
	v48 =	vadd.f32 v24, v6  }
0xf0: {  	v24 =	vmul.f32 v49, v45;
	v2 =	vadd.f32 v25, v2;
	v25 =	vmul.f32 v60, v19  }
0xf1: {  	v55 =	vmul.f32 v49, v13;
	v26 =	vadd.f32 v52, v51;
	v8 =	vadd.f32 v54, v8  }
0xf2: {  	v60 =	vadd.f32 v3, v43;
	v6 =	vmul.f32 v7, v41;
	v22 =	vadd.f32 v25, v22  }
0xf3: {  	v50 =	vmul.f32 v7, v17;
	v25 =	vadd.f32 v56, v26;
	v26 =	vadd.f32 v3, v33  }
0xf4: {  	v51 =	vmul.f32 v7, v20;
	v2 =	vadd.f32 v2, v10;
	v3 =	vadd.f32 v3, v44;
	v10 =	vld [tilespmem:s31+$0x2000]  }
0xf5: {  	v56 =	vmul.f32 v49, v21;
	v6 =	vadd.f32 v24, v6;
	v0 =	vadd.f32 v0, v26  }
0xf6: {  	v26 =	vadd.f32 v8, v47;
	v47 =	vadd.f32 v22, v59;
	v59 =	vld [tilespmem:s31+$0x3000];
	v8 =	vmul.f32 v7, v12  }
0xf7: {  	v22 =	vmul.f32 v7, v14;
	v25 =	vadd.f32 v25, v60;
	v60 =	vadd.f32 v1, v3  }
0xf8: {  	v3 =	vmul.f32 v49, v16;
	v1 =	vadd.f32 v55, v8;
	v8 =	vmul.f32 v49, v18  }
0xf9: {  	v51 =	vadd.f32 v56, v51;
	v56 =	vmul.f32 v49, v32;
	v24 =	vmul.f32 v10, v46  }
0xfa: {  	v3 =	vadd.f32 v3, v22;
	v22 =	vmul.f32 v7, v28;
	v50 =	vadd.f32 v8, v50  }
0xfb: {  	v8 =	vmul.f32 v7, v31;
	v6 =	vadd.f32 v24, v6;
	v24 =	vadd.f32 v59, v40  }
0xfc: {  	v54 =	vimm.f32 $+Inf;
	v52 =	vmul.f32 v10, v19;
	v7 =	vmul.f32 v7, v36  }
0xfd: {  	v55 =	vadd.f32 v56, v8;
	v8 =	vperm.xlane v58, v63;
	v6 =	vadd.f32 v6, v24  }
0xfe: {  	[tilespmem:$0x1FF00] =	vst v58;
	v4 =	vmin.f32 v54, v4;
	v58 =	vld [tilespmem:$0x1FF20];
	v24 =	vmul.f32 v49, v29;
	v49 =	vmul.f32 v49, v38  }
0xff: {  	v53 =	vmin.f32 v4, v6;
	v4 =	vmul.f32 v10, v9;
	v6 =	vmul.f32 v10, v11  }
0x100: {  	[tilespmem:$0x1FF60] =	vst v61;
	v24 =	vadd.f32 v24, v22;
	v56 =	vadd.f32 v49, v7;
	v7 =	vmul.f32 v10, v15  }
0x101: {  	v61 =	vmin.f32 v54, v0;
	[tilespmem:$0x1FF10] =	vst v8;
	v8 =	vadd.f32 v4, v1;
	v6 =	vadd.f32 v6, v3  }
0x102: {  	[tilespmem:$0x1FF70] =	vst v57;
	v3 =	vmul.f32 v10, v23;
	v22 =	vadd.f32 v7, v50;
	v4 =	vmul.f32 v10, v30  }
0x103: {  	v10 =	vmul.f32 v10, v39;
	v7 =	vadd.f32 v52, v51;
	v51 =	vmovc v58;
	v1 =	vperm.xlane v58, v63  }
0x104: {  	v52 =	vmovc v62;
	v58 =	vperm.xlane v62, v63;
	v62 =	vperm.xlane v57, v63;
	v57 =	vmin.f32 v54, v47  }
0x105: {  	v47 =	vadd.f32 v59, v33;
	v63 =	vperm.xlane v5, v63;
	[tilespmem:$0x1FF30] =	vst v1;
	v24 =	vadd.f32 v3, v24  }
0x106: {  	v4 =	vadd.f32 v4, v55;
	v10 =	vadd.f32 v10, v56;
	[tilespmem:$0x1FF80] =	vst v62;
	v62 =	vmin.f32 v54, v2  }
0x107: {  	s21 =	simm.s32 $0x20;
	[tilespmem:$0x1FF40] =	vst v58;
	v58 =	vmin.f32 v54, v26;
	v55 =	vmin.f32 v54, v25;
	v25 =	vadd.f32 v59, v37  }
0x108: {  	s20 =	simm.s32 $0xC0;
	v56 =	vmin.f32 v54, v48;
	[tilespmem:$0x1FF90] =	vst v63;
	v63 =	vld [tilespmem:s21+$0x0];
	v48 =	vadd.f32 v59, v35;
	v26 =	vadd.f32 v59, v34  }
.LBB2_7:
0x109: {  	p0 =	sne.s32 s20, $0x3FC0;
	v0 =	vld [tilespmem:s21+$0x1000];
	v1 =	vadd.f32 v59, v42;
	v2 =	vadd.f32 v59, v43;
	v54 =	vmin.f32 v54, v60  }
0x10a: {  	v3 =	vadd.f32 v8, v25;
	v8 =	vadd.f32 v59, v44  }
0x10b: {  	v6 =	vadd.f32 v6, v47;
	v47 =	vadd.f32 v22, v48;
	v27 =	vld [tilespmem:s21+$0x2000]  }
0x10c: {  	v62 =	vmin.f32 v62, v3;
	v3 =	vadd.f32 v7, v26;
	v1 =	vadd.f32 v24, v1  }
0x10d: {  	v2 =	vadd.f32 v4, v2;
	v59 =	vld [tilespmem:s21+$0x3000];
	v7 =	vmul.f32 v63, v12;
	v22 =	vmul.f32 v63, v14  }
0x10e: {  	v60 =	vadd.f32 v10, v8;
	v4 =	vmul.f32 v63, v41;
	v24 =	vmul.f32 v0, v45  }
0x10f: {  	v61 =	vmin.f32 v61, v6;
	v8 =	vmul.f32 v0, v13;
	v10 =	vmul.f32 v0, v16  }
0x110: {  	v6 =	vmul.f32 v63, v17;
	v4 =	vadd.f32 v24, v4;
	v24 =	vmul.f32 v27, v46  }
0x111: {  	v25 =	vmul.f32 v63, v20;
	v7 =	vadd.f32 v8, v7;
	v8 =	vmul.f32 v0, v18  }
0x112: {  	v26 =	vmul.f32 v0, v21;
	v4 =	vadd.f32 v24, v4;
	v24 =	vadd.f32 v59, v40  }
0x113: {  	v48 =	vmul.f32 v0, v29;
	v10 =	vadd.f32 v10, v22;
	v22 =	vmul.f32 v63, v28  }
0x114: {  	v49 =	vmul.f32 v63, v31;
	v50 =	vmul.f32 v0, v32;
	v4 =	vadd.f32 v4, v24  }
0x115: {  	v0 =	vmul.f32 v0, v38;
	v24 =	vadd.f32 v8, v6;
	v6 =	vmul.f32 v63, v36  }
0x116: {  	v26 =	vadd.f32 v26, v25;
	v48 =	vadd.f32 v48, v22;
	v53 =	vmin.f32 v53, v4  }
0x117: {  	v49 =	vadd.f32 v50, v49;
	v4 =	vmul.f32 v27, v9;
	v0 =	vadd.f32 v0, v6  }
0x118: {  	v25 =	vadd.f32 v59, v37;
	v22 =	vmul.f32 v27, v15;
	v6 =	vmul.f32 v27, v11  }
0x119: {  	v50 =	vmul.f32 v27, v23;
	v8 =	vadd.f32 v4, v7;
	v4 =	vmul.f32 v27, v19  }
.Ltmp2:
0x11a: {  	v6 =	vadd.f32 v6, v10;
	v10 =	vmul.f32 v27, v30;
	v27 =	vmul.f32 v27, v39;
	(pc) =	sbr.rel @p0 .LBB2_7-.Ltmp2, $4  }
0x11b: {  	v58 =	vmin.f32 v58, v47;
	v22 =	vadd.f32 v22, v24;
	v7 =	vadd.f32 v4, v26  }
0x11c: {  	v57 =	vmin.f32 v57, v3;
	v24 =	vadd.f32 v50, v48;
	v4 =	vadd.f32 v10, v49  }
0x11d: {  	s21 =	sshra.s32 s20, $0x2;
	v56 =	vmin.f32 v56, v1;
	v47 =	vadd.f32 v59, v33;
	v10 =	vadd.f32 v27, v0  }
0x11e: {  	s20 =	sadd.s32 $0x40, s20;
	v55 =	vmin.f32 v55, v2;
	v48 =	vadd.f32 v59, v35;
	v26 =	vadd.f32 v59, v34;
	v63 =	vld [tilespmem:s21+$0x0]  }
0x11f: {  	v1 =	vadd.f32 v8, v25;
	v2 =	vadd.f32 v59, v42  }
0x120: {  	v6 =	vadd.f32 v6, v47;
	v47 =	vadd.f32 v59, v43  }
0x121: {  	v0 =	vld [tilespmem:s21+$0x1000];
	v8 =	vmin.f32 v54, v60;
	v22 =	vadd.f32 v22, v48;
	v7 =	vadd.f32 v7, v26  }
0x122: {  	v3 =	vld [tilespmem:s21+$0x2000];
	v48 =	vadd.f32 v59, v44;
	v1 =	vmin.f32 v62, v1;
	v2 =	vadd.f32 v24, v2  }
0x123: {  	v4 =	vadd.f32 v4, v47;
	v62 =	vmul.f32 v63, v41;
	v12 =	vmul.f32 v63, v12  }
0x124: {  	v27 =	vld [tilespmem:s21+$0x3000];
	v6 =	vmin.f32 v61, v6;
	v14 =	vmul.f32 v63, v14;
	v17 =	vmul.f32 v63, v17  }
0x125: {  	v10 =	vadd.f32 v10, v48;
	v59 =	vmul.f32 v63, v20;
	v61 =	vmul.f32 v63, v28  }
0x126: {  	v48 =	vmin.f32 v58, v22;
	v28 =	vmul.f32 v63, v36;
	v45 =	vmul.f32 v0, v45  }
0x127: {  	v7 =	vmin.f32 v57, v7;
	v13 =	vmul.f32 v0, v13;
	v49 =	vmul.f32 v3, v46  }
0x128: {  	v2 =	vmin.f32 v56, v2;
	v16 =	vmul.f32 v0, v16;
	v18 =	vmul.f32 v0, v18  }
0x129: {  	v54 =	vadd.f32 v27, v40;
	v60 =	vmul.f32 v0, v21;
	v32 =	vmul.f32 v0, v32  }
0x12a: {  	v9 =	vmul.f32 v3, v9;
	v47 =	vadd.f32 v27, v37;
	v56 =	vadd.f32 v27, v42  }
0x12b: {  	v11 =	vmul.f32 v3, v11;
	v57 =	vadd.f32 v27, v43;
	v58 =	vadd.f32 v27, v44  }
0x12c: {  	v15 =	vmul.f32 v3, v15;
	v24 =	vadd.f32 v45, v62;
	v12 =	vadd.f32 v13, v12  }
0x12d: {  	v14 =	vadd.f32 v16, v14;
	v62 =	vmul.f32 v63, v31;
	v31 =	vmul.f32 v0, v29  }
0x12e: {  	v17 =	vadd.f32 v18, v17;
	v0 =	vmul.f32 v0, v38;
	v16 =	vadd.f32 v60, v59  }
0x12f: {  	v40 =	vmul.f32 v3, v19;
	v50 =	vadd.f32 v49, v24;
	v36 =	vadd.f32 v31, v61  }
0x130: {  	v46 =	vmul.f32 v3, v30;
	v38 =	vadd.f32 v32, v62;
	v0 =	vadd.f32 v0, v28  }
0x131: {  	v26 =	vld [tilespmem:$0x1FF50];
	v45 =	vmul.f32 v3, v23;
	v9 =	vadd.f32 v9, v12;
	v11 =	vadd.f32 v11, v14  }
0x132: {  	v19 =	vld [tilespmem:$0x1FF10];
	v3 =	vmul.f32 v3, v39;
	v41 =	vadd.f32 v15, v17;
	v12 =	vadd.f32 v40, v16  }
0x133: {  	v21 =	vld [tilespmem:$0x1FFB0];
	v13 =	vadd.f32 v50, v54;
	v15 =	vadd.f32 v45, v36  }
0x134: {  	v18 =	vld [tilespmem:$0x1FF00];
	v17 =	vadd.f32 v46, v38;
	v0 =	vadd.f32 v3, v0  }
0x135: {  	v4 =	vmin.f32 v55, v4;
	v14 =	vld [tilespmem:$0x1FEC0];
	v49 =	vadd.f32 v9, v47;
	v50 =	vadd.f32 v27, v33  }
0x136: {  	v16 =	vld [tilespmem:$0x1FEE0];
	v54 =	vadd.f32 v27, v34;
	v13 =	vmin.f32 v53, v13;
	v53 =	vadd.f32 v27, v35  }
0x137: {  	v8 =	vmin.f32 v8, v10;
	v9 =	vadd.f32 v11, v50;
	v61 =	vadd.f32 v15, v56;
	v15 =	vld [tilespmem:$0x1FED0]  }
0x138: {  	v36 =	vld [tilespmem:$0x1FF90];
	v1 =	vmin.f32 v1, v49;
	v60 =	vadd.f32 v12, v54;
	v62 =	vadd.f32 v17, v57  }
0x139: {  	v0 =	vadd.f32 v0, v58;
	v17 =	vld [tilespmem:$0x1FEF0];
	v22 =	vperm.xlane v1, v21;
	v55 =	vperm.xlane v13, v21  }
0x13a: {  	v28 =	vld [tilespmem:$0x1FFC0];
	v59 =	vadd.f32 v41, v53;
	v6 =	vmin.f32 v6, v9;
	v3 =	vmin.f32 v7, v60  }
0x13b: {  	v27 =	vld [tilespmem:$0x1FF60];
	v2 =	vmin.f32 v2, v61;
	v4 =	vmin.f32 v4, v62;
	v0 =	vmin.f32 v8, v0  }
0x13c: {  	v24 =	vperm.xlane v6, v21;
	v1 =	vmin.f32 v1, v22;
	v7 =	vmin.f32 v14, v15  }
0x13d: {  	v20 =	vld [tilespmem:$0x1FF30];
	v5 =	vmin.f32 v5, v36;
	v39 =	vperm.xlane v3, v21;
	(v2sf) =	vpush v7, $0x0  }
0x13e: {  	v47 =	vperm.xlane v2, v21;
	v50 =	vperm.xlane v4, v21;
	v7 =	vmin.f32 v16, v17  }
0x13f: {  	v23 =	vld [tilespmem:$0x1FF40];
	v63 =	vmin.f32 v48, v59;
	v29 =	vperm.xlane v1, v28;
	(v2sf) =	vpush v7, $0x0  }
0x140: {  	v34 =	vld [tilespmem:$0x1FFD0];
	v25 =	vperm.xlane v63, v21;
	v10 =	vmin.f32 v26, v27;
	v7 =	vmin.f32 v18, v19  }
0x141: {  	v6 =	vmin.f32 v6, v24;
	v3 =	vmin.f32 v3, v39;
	(v2sf) =	vpush v7, $0x0  }
0x142: {  	v31 =	vld [tilespmem:$0x1FF70];
	v2 =	vmin.f32 v2, v47;
	v4 =	vmin.f32 v4, v50;
	v7 =	vmin.f32 v51, v20  }
0x143: {  	v32 =	vld [tilespmem:$0x1FF80];
	v30 =	vperm.xlane v6, v28;
	v1 =	vmin.f32 v1, v29;
	(v2sf) =	vpush v7, $0x0  }
0x144: {  	v41 =	vld [tilespmem:$0x1FFE0];
	v45 =	vperm.xlane v3, v28;
	v53 =	vperm.xlane v4, v28;
	v7 =	vmin.f32 v52, v23  }
0x145: {  	v35 =	vperm.xlane v1, v34;
	v6 =	vmin.f32 v6, v30;
	(v2sf) =	vpush v7, $0x0  }
0x146: {  	v3 =	vmin.f32 v3, v45;
	v51 =	vperm.xlane v2, v28;
	v37 =	vperm.xlane v6, v34  }
0x147: {  	v1 =	vmin.f32 v1, v35;
	v7 =	vmin.f32 v63, v25;
	(v2sf) =	vpush v10, $0x0  }
0x148: {  	v49 =	vperm.xlane v3, v34;
	v10 =	vmin.f32 v31, v32;
	v33 =	vperm.xlane v7, v28  }
0x149: {  	v52 =	vperm.xlane v0, v21;
	v42 =	vperm.xlane v1, v41;
	(v2sf) =	vpush v10, $0x0  }
0x14a: {  	v40 =	vmin.f32 v6, v37;
	v3 =	vmin.f32 v3, v49;
	v7 =	vmin.f32 v7, v33  }
0x14b: {  	v0 =	vmin.f32 v0, v52;
	(v2sf) =	vpush v5, $0x0;
	v38 =	vperm.xlane v7, v34  }
0x14c: {  	v43 =	vperm.xlane v40, v41;
	v1 =	vmin.f32 v1, v42;
	v6 =	vperm.xlane v3, v41;
	s0 =	spop (v2sf)  }
0x14d: {  	v56 =	vperm.xlane v0, v28;
	(v2sf) =	vpush v1, $0x0;
	v7 =	vmin.f32 v7, v38;
	s0 =	sadd.f32 s0, s19  }
0x14e: {  	v46 =	vmin.f32 v40, v43;
	v1 =	vmin.f32 v2, v51;
	v44 =	vperm.xlane v7, v41;
	s1 =	spop (v2sf)  }
0x14f: {  	v5 =	vmin.f32 v13, v55;
	(v2sf) =	vpush v46, $0x0;
	v54 =	vperm.xlane v1, v34;
	s0 =	sadd.f32 s1, s0  }
0x150: {  	v3 =	vmin.f32 v3, v6;
	v2 =	vmin.f32 v4, v53;
	v48 =	vmin.f32 v7, v44;
	s15 =	spop (v2sf)  }
0x151: {  	v57 =	vperm.xlane v2, v34;
	v1 =	vmin.f32 v1, v54;
	(v2sf) =	vpush v48, $0x0;
	s0 =	sadd.f32 s15, s0  }
0x152: {  	v0 =	vmin.f32 v0, v56;
	v58 =	vperm.xlane v5, v28;
	v7 =	vperm.xlane v1, v41;
	s16 =	spop (v2sf)  }
0x153: {  	v59 =	vperm.xlane v0, v34;
	v2 =	vmin.f32 v2, v57;
	(v2sf) =	vpush v3, $0x0;
	s0 =	sadd.f32 s16, s0  }
0x154: {  	v4 =	vmin.f32 v5, v58;
	v60 =	vperm.xlane v2, v41;
	v1 =	vmin.f32 v1, v7;
	s19 =	spop (v2sf)  }
0x155: {  	v0 =	vmin.f32 v0, v59;
	v61 =	vperm.xlane v4, v34;
	(v2sf) =	vpush v1, $0x0;
	s0 =	sadd.f32 s19, s0  }
0x156: {  	v2 =	vmin.f32 v2, v60;
	v3 =	vperm.xlane v0, v41;
	s20 =	spop (v2sf)  }
0x157: {  	v1 =	vmin.f32 v4, v61;
	(v2sf) =	vpush v2, $0x0;
	s0 =	sadd.f32 s20, s0  }
0x158: {  	v0 =	vmin.f32 v0, v3;
	v62 =	vperm.xlane v1, v41;
	s21 =	spop (v2sf)  }
0x159: {  	(v2sf) =	vpush v0, $0x0;
	s0 =	sadd.f32 s21, s0  }
0x15a: {  	v63 =	vmin.f32 v1, v62;
	s22 =	spop (v2sf)  }
0x15b: {  	(v2sf) =	vpush v63, $0x0;
	s0 =	sadd.f32 s22, s0  }
0x15c: {  	s23 =	spop (v2sf)  }
0x15d: {  	s0 =	sadd.f32 s23, s0  }
0x15e: {  	s24 =	spop (v2sf)  }
0x15f: {  	s0 =	sadd.f32 s24, s0  }
0x160: {  	s25 =	spop (v2sf)  }
0x161: {  	s0 =	sadd.f32 s25, s0  }
0x162: {  	s26 =	spop (v2sf)  }
0x163: {  	s0 =	sadd.f32 s26, s0  }
0x164: {  	s28 =	spop (v2sf)  }
0x165: {  	s18 =	sadd.s32 $0x1, s18;
	s0 =	sadd.f32 s28, s0  }
0x166: {  	p0 =	sne.s32 s18, $0x4;
	s29 =	spop (v2sf)  }
.Ltmp3:
0x167: {  	s0 =	sadd.f32 s29, s0;
	(pc) =	sbr.rel @p0 .LBB2_4-.Ltmp3, $4  }
0x168: {  	s30 =	spop (v2sf)  }
0x169: {  	s0 =	sadd.f32 s30, s0  }
0x16a: {  	s31 =	spop (v2sf)  }
0x16b: {  	s19 =	sadd.f32 s31, s0  }
0x16c: {  	s17 =	sadd.s32 $0x1, s17  }
0x16d: {  	v0 =	vmov s19;
	p0 =	sne.s32 s17, s10  }
.Ltmp4:
0x16e: {  	s0 =	simm.s32 $0x0;
	s1 =	simm.s32 $0x4000;
	[tilespmem:$0x4000] =	vst v0;
	(pc) =	sbr.rel @p0 .LBB2_1-.Ltmp4, $4  }
0x16f: {  	[hbm4b:s9+s0] =	stream.linear.scatter [tilespmem:s1], [sflag:$0x1], $0x80, $0x38;
	[tilespmem:$0x4080] =	vst v63  }
0x170: {  	_ =	swait.ge [sflag:s13], $0x80  }
0x171: {  	[sflag:s13] =	ssyncset.done $0x0  }
0x172: {  	s2 =	simm.s32 $0x1000;
	s3 =	simm.s32 $0x2000;
	[sflag:s13] =	ssyncadd.s32 $0xFFFFFF80  }
0x173: {  	_ =	sfence.sel $0x180000  }
0x174: {  	[bflag:$0x0] =	sbarrier.arrive $0xFFFF  }
0x175: {  	_ =	strace $0x90000047  }
0x176: {  	s0 =	stileid.u32;
	[bflag:$0x2] =	sbarrier.arrive $0xFFFF  }
0x177: {  	p0 =	sne.s32 s0, $0x0;
	s0 =	rddreg [dreg:$0x1]  }
0x178: {  	s0 =	sadd.s32 @!p0 $0x100000, s0  }
0x179: {  	[sflag:s0] =	ssyncadd.tile.s32 @!p0 $0x1;
	_ =	shalt  }
.Lfunc_end2:
_tile_overlayer_lowered:
.L_overlay_start_2:
0x17a: {  	(tag) =	ssettag $0x2  }
0x17b: {  	s0 =	rddreg [dreg:$0x0];
	s2 =	stileid.u32  }
0x17c: {  	s1 =	rddreg [dreg:$0x1];
	p0 =	sne.s32 s2, $0x0  }
0x17d: {  	s3 =	rddreg [dreg:$0x2];
	[bflag:$0x3] =	sbarrier.arrive $0xFFFF;
	s2 =	simm.s32 @!p0 $0x1C01  }
0x17e: {  	[timem:s3], [sflag:s2] =	dma.local @!p0 [hbm:s0], s1  }
0x17f: {  	s0 =	simm.s32 @!p0 $0x1  }
0x180: {  	_ =	swait.ge @!p0 [sflag:s0], s1  }
0x181: {  	s1 =	ssub.s32 @!p0 $0x0, s1;
	[sflag:s0] =	ssyncset.done @!p0 $0x0  }
0x182: {  	[sflag:s0] =	ssyncadd.s32 @!p0 s1  }
0x183: {  	[bflag:$0x3] =	sbarrier.arrive $0xFFFF  }
0x184: {  	_ =	shalt  }

</sc_bundles>
